<compile_context>
chip_gen: v7x
topology: tpu7x:2x2x1
jax: 0.10.2.dev20260603
libtpu: 0.0.44.dev20260713+nightly
codegen_flags: <defaults>
</compile_context>

<pallas_src>
import jax
import jax.numpy as jnp
from jax import lax
from jax.experimental import pallas as pl
from jax.experimental.pallas import tpu as pltpu
from jax.experimental.pallas import tpu_sc as plsc

BS, SEQ, D, PLEN, SESSIONS = 256, 196, 768, 10, 10
OUT_SEQ = PLEN + SEQ
NC, NS = 2, 16
NW = NC * NS
SPW = BS // NW
NCHUNK = 7
CHROWS = SEQ // NCHUNK
TOT = SPW * NCHUNK


def _sc_body(x_hbm, pool_hbm, tid_hbm, out_hbm, idx_v, pv, bufs,
             sem_g, sem_in, sem_out, sem_p):
    wid = lax.axis_index("s") * NC + lax.axis_index("c")
    base = pl.multiple_of(wid * SPW, SPW)

    pltpu.sync_copy(tid_hbm.at[pl.ds(base, SPW)], idx_v)
    gather = pltpu.make_async_copy(pool_hbm.at[idx_v], pv, sem_g)
    gather.start()

    def in_copy(c, b):
        j, p = c // NCHUNK, c % NCHUNK
        return pltpu.make_async_copy(
            x_hbm.at[base + j, pl.ds(p * CHROWS, CHROWS)],
            bufs.at[b], sem_in.at[b])

    def out_copy(c, b):
        j, p = c // NCHUNK, c % NCHUNK
        return pltpu.make_async_copy(
            bufs.at[b],
            out_hbm.at[base + j, pl.ds(PLEN + p * CHROWS, CHROWS)],
            sem_out.at[b])

    in_copy(0, 0).start()
    in_copy(0, 0).wait()
    out_copy(0, 0).start()
    in_copy(1, 1).start()

    def group(g, carry):
        c1 = 2 * g + 1
        in_copy(c1, 1).wait()
        out_copy(c1, 1).start()
        out_copy(c1 - 1, 0).wait()
        in_copy(c1 + 1, 0).start()
        c2 = 2 * g + 2
        in_copy(c2, 0).wait()
        out_copy(c2, 0).start()
        out_copy(c2 - 1, 1).wait()
        in_copy(c2 + 1, 1).start()
        return carry

    lax.fori_loop(0, (TOT - 2) // 2, group, 0)
    c = TOT - 1
    in_copy(c, 1).wait()
    out_copy(c, 1).start()
    out_copy(c - 1, 0).wait()
    out_copy(c, 1).wait()

    gather.wait()
    p_writes = [
        pltpu.make_async_copy(
            pv.at[j], out_hbm.at[base + j, pl.ds(0, PLEN)], sem_p)
        for j in range(SPW)
    ]
    for w in p_writes:
        w.start()
    for w in p_writes:
        w.wait()


def kernel(x, prompt_pool, task_id):
    mesh = plsc.VectorSubcoreMesh(core_axis_name="c", subcore_axis_name="s")
    run = pl.kernel(
        _sc_body,
        out_type=jax.ShapeDtypeStruct((BS, OUT_SEQ, D), jnp.float32),
        mesh=mesh,
        compiler_params=pltpu.CompilerParams(use_tc_tiling_on_sc=False),
        scratch_types=[
            pltpu.VMEM((SPW,), jnp.int32),
            pltpu.VMEM((SPW, PLEN, D), jnp.float32),
            pltpu.VMEM((2, CHROWS, D), jnp.float32),
            pltpu.SemaphoreType.DMA,
            pltpu.SemaphoreType.DMA((2,)),
            pltpu.SemaphoreType.DMA((2,)),
            pltpu.SemaphoreType.DMA,
        ],
    )
    return run(x, prompt_pool, task_id.astype(jnp.int32))

# --- scband reference (transcript-rebuilt; emitter-appended) ---
"""Pipeline reference for scband-sprompt-9414568313041 (READ-ONLY COPY).

The authoritative reference and input builder live on the scoring server;
editing this copy changes nothing except your own understanding.
"""

import jax, jax.numpy as jnp
import numpy as np

BS = 256
SEQ = 196
D = 768
SESSIONS = 10
PLEN = 10
NUM_CLASSES = 50

def setup_inputs(seed: int = 0) -> dict:
    key = jax.random.key(seed)
    k1, k2, k3 = jax.random.split(key, 3)
    x = jax.random.normal(k1, (BS, SEQ, D), dtype=jnp.float32)
    task_id = jax.random.randint(k2, (BS,), 0, SESSIONS, dtype=jnp.int64 if jax.config.jax_enable_x64 else jnp.int32)
    # s_prompt_pool: stack of nn.Linear(embed_dim, s_prompt_length, bias=False).weight -> each [PLEN, D]
    prompt_pool = jax.random.normal(k3, (SESSIONS, PLEN, D), dtype=jnp.float32) * (1.0 / np.sqrt(D))
    return {"x": x, "prompt_pool": prompt_pool, "task_id": task_id}

def reference(x, prompt_pool, task_id):
    # Eval path of SPrompt.forward (train=False):
    # for each sample i: s_prompt = s_prompt_pool[task_id[i]].weight  -> [PLEN, D]
    #                    concat([s_prompt, x[i]], dim=0)
    # stacked over batch -> [BS, PLEN + SEQ, D]
    prompts = jnp.take(prompt_pool, task_id, axis=0)  # gather: [BS, PLEN, D]
    x_embed_with_s = jnp.concatenate([prompts, x], axis=1)
    return x_embed_with_s

if __name__ == "__main__":
    import jax
    _d = setup_inputs()
    print(jax.jit(kernel)(*tuple(_d.values())))

</pallas_src>

<mosaic_0001>
#map = affine_map<(d0, d1) -> (0, 0, 0)>
#map1 = affine_map<(d0, d1) -> (0)>
module attributes {stable_mosaic.version = 14 : i64} {
  func.func @_sc_body(%arg0: i32, %arg1: i32, %arg2: memref<256x196x768xf32, #tpu.memory_space<hbm>>, %arg3: memref<10x10x768xf32, #tpu.memory_space<hbm>>, %arg4: memref<256xi32, #tpu.memory_space<hbm>>, %arg5: memref<256x206x768xf32, #tpu.memory_space<hbm>>, %arg6: memref<8xi32, #tpu.memory_space<vmem>>, %arg7: memref<8x10x768xf32, #tpu.memory_space<vmem>>, %arg8: memref<2x28x768xf32, #tpu.memory_space<vmem>>, %arg9: memref<!tpu.dma_semaphore, #tpu.memory_space<semaphore_mem>>, %arg10: memref<2x!tpu.dma_semaphore, #tpu.memory_space<semaphore_mem>>, %arg11: memref<2x!tpu.dma_semaphore, #tpu.memory_space<semaphore_mem>>, %arg12: memref<!tpu.dma_semaphore, #tpu.memory_space<semaphore_mem>>) attributes {dimension_semantics = [#tpu.dimension_semantics<core_parallel>, #tpu.dimension_semantics<subcore_parallel>], iteration_bounds = array<i64: 2, 16>, scalar_prefetch = 0 : i64, scratch_operands = 7 : i64, tpu.core_type = #tpu.core_type<sc_vector_subcore>, window_params = [{transform_indices = #map}, {transform_indices = #map}, {transform_indices = #map1}, {transform_indices = #map}]} {
    %mul3A = arith.constant 2 : i32
    %mul3A_0 = arith.muli %arg1, %mul3A : i32
    %add3A = arith.addi %mul3A_0, %arg0 : i32
    %mul3A_1 = arith.constant 8 : i32
    %mul3A_2 = arith.muli %add3A, %mul3A_1 : i32
    %multiple_of3A = tpu.assume_multiple %mul3A_2, 8 : i32
    "tpu.region"() ({
      %run_scoped3A = tpu.sem_alloc : memref<!tpu.dma_semaphore, #tpu.memory_space<semaphore_mem>>
      %dma_start3A_478 = tpu.memref_slice %arg4[%multiple_of3A] : memref<256xi32, #tpu.memory_space<hbm>> -> memref<8xi32, #tpu.memory_space<hbm>>
      %dma_start3A_479 = tpu.memref_slice %arg4[%multiple_of3A] : memref<256xi32, #tpu.memory_space<hbm>> -> memref<8xi32, #tpu.memory_space<hbm>>
      tpu.enqueue_dma source(%dma_start3A_479 : memref<8xi32, #tpu.memory_space<hbm>>) target(%arg6 : memref<8xi32, #tpu.memory_space<vmem>>) target_semaphore(%run_scoped3A : memref<!tpu.dma_semaphore, #tpu.memory_space<semaphore_mem>>)
      %dma_wait3A_480 = tpu.memref_slice %arg4[%multiple_of3A] : memref<256xi32, #tpu.memory_space<hbm>> -> memref<8xi32, #tpu.memory_space<hbm>>
      %dma_wait3A_481 = tpu.memref_slice %arg4[%multiple_of3A] : memref<256xi32, #tpu.memory_space<hbm>> -> memref<8xi32, #tpu.memory_space<hbm>>
      tpu.wait_dma2 semaphore(%run_scoped3A : memref<!tpu.dma_semaphore, #tpu.memory_space<semaphore_mem>>) src(%dma_wait3A_481 : memref<8xi32, #tpu.memory_space<hbm>>) dst(%arg6 : memref<8xi32, #tpu.memory_space<vmem>>)
      tpu.yield
    }) : () -> ()
    %dma_start3A = arith.constant 0 : i32
    %dma_start3A_3 = arith.constant 0 : i32
    %dma_start3A_4 = arith.constant 0 : i32
    %dma_start3A_5 = tpu.memref_slice %arg3[%dma_start3A, %dma_start3A_3, %dma_start3A_4] : memref<10x10x768xf32, #tpu.memory_space<hbm>> -> memref<10x10x768xf32, #tpu.memory_space<hbm>>
    tpu.enqueue_indirect_dma source(%dma_start3A_5 : memref<10x10x768xf32, #tpu.memory_space<hbm>>) target(%arg7 : memref<8x10x768xf32, #tpu.memory_space<vmem>>) offsets(%arg6 : memref<8xi32, #tpu.memory_space<vmem>>) semaphore(%arg9 : memref<!tpu.dma_semaphore, #tpu.memory_space<semaphore_mem>>)
    %add3A_6 = arith.constant 0 : i32
    %add3A_7 = arith.addi %multiple_of3A, %add3A_6 : i32
    %dma_start3A_8 = arith.constant 0 : i32
    %dma_start3A_9 = arith.constant 0 : i32
    %dma_start3A_10 = arith.constant 0 : i32
    %dma_start3A_11 = arith.constant 0 : i32
    %dma_start3A_12 = tpu.memref_slice %arg8[%dma_start3A_8, %dma_start3A_10, %dma_start3A_11] : memref<2x28x768xf32, #tpu.memory_space<vmem>> -> memref<1x28x768xf32, #tpu.memory_space<vmem>>
    %dma_start3A_13 = tpu.memref_squeeze %dma_start3A_12 : memref<1x28x768xf32, #tpu.memory_space<vmem>> -> memref<28x768xf32, #tpu.memory_space<vmem>>
    %dma_start3A_14 = arith.constant 0 : i32
    %dma_start3A_15 = arith.constant 0 : i32
    %dma_start3A_16 = tpu.memref_slice %arg2[%add3A_7, %dma_start3A_14, %dma_start3A_15] : memref<256x196x768xf32, #tpu.memory_space<hbm>> -> memref<1x28x768xf32, #tpu.memory_space<hbm>>
    %dma_start3A_17 = tpu.memref_squeeze %dma_start3A_16 : memref<1x28x768xf32, #tpu.memory_space<hbm>> -> memref<28x768xf32, #tpu.memory_space<hbm>>
    %dma_start3A_18 = tpu.memref_slice %arg10[%dma_start3A_9] : memref<2x!tpu.dma_semaphore, #tpu.memory_space<semaphore_mem>> -> memref<1x!tpu.dma_semaphore, #tpu.memory_space<semaphore_mem>>
    %dma_start3A_19 = tpu.memref_squeeze %dma_start3A_18 : memref<1x!tpu.dma_semaphore, #tpu.memory_space<semaphore_mem>> -> memref<!tpu.dma_semaphore, #tpu.memory_space<semaphore_mem>>
    %dma_start3A_20 = arith.constant 0 : i32
    %dma_start3A_21 = arith.constant 0 : i32
    %dma_start3A_22 = tpu.memref_slice %arg8[%dma_start3A_8, %dma_start3A_20, %dma_start3A_21] : memref<2x28x768xf32, #tpu.memory_space<vmem>> -> memref<1x28x768xf32, #tpu.memory_space<vmem>>
    %dma_start3A_23 = tpu.memref_squeeze %dma_start3A_22 : memref<1x28x768xf32, #tpu.memory_space<vmem>> -> memref<28x768xf32, #tpu.memory_space<vmem>>
    %dma_start3A_24 = arith.constant 0 : i32
    %dma_start3A_25 = arith.constant 0 : i32
    %dma_start3A_26 = tpu.memref_slice %arg2[%add3A_7, %dma_start3A_24, %dma_start3A_25] : memref<256x196x768xf32, #tpu.memory_space<hbm>> -> memref<1x28x768xf32, #tpu.memory_space<hbm>>
    %dma_start3A_27 = tpu.memref_squeeze %dma_start3A_26 : memref<1x28x768xf32, #tpu.memory_space<hbm>> -> memref<28x768xf32, #tpu.memory_space<hbm>>
    tpu.enqueue_dma source(%dma_start3A_27 : memref<28x768xf32, #tpu.memory_space<hbm>>) target(%dma_start3A_23 : memref<28x768xf32, #tpu.memory_space<vmem>>) target_semaphore(%dma_start3A_19 : memref<!tpu.dma_semaphore, #tpu.memory_space<semaphore_mem>>)
    %add3A_28 = arith.constant 0 : i32
    %add3A_29 = arith.addi %multiple_of3A, %add3A_28 : i32
    %dma_wait3A = arith.constant 0 : i32
    %dma_wait3A_30 = arith.constant 0 : i32
    %dma_wait3A_31 = arith.constant 0 : i32
    %dma_wait3A_32 = arith.constant 0 : i32
    %dma_wait3A_33 = tpu.memref_slice %arg8[%dma_wait3A, %dma_wait3A_31, %dma_wait3A_32] : memref<2x28x768xf32, #tpu.memory_space<vmem>> -> memref<1x28x768xf32, #tpu.memory_space<vmem>>
    %dma_wait3A_34 = tpu.memref_squeeze %dma_wait3A_33 : memref<1x28x768xf32, #tpu.memory_space<vmem>> -> memref<28x768xf32, #tpu.memory_space<vmem>>
    %dma_wait3A_35 = arith.constant 0 : i32
    %dma_wait3A_36 = arith.constant 0 : i32
    %dma_wait3A_37 = tpu.memref_slice %arg2[%add3A_29, %dma_wait3A_35, %dma_wait3A_36] : memref<256x196x768xf32, #tpu.memory_space<hbm>> -> memref<1x28x768xf32, #tpu.memory_space<hbm>>
    %dma_wait3A_38 = tpu.memref_squeeze %dma_wait3A_37 : memref<1x28x768xf32, #tpu.memory_space<hbm>> -> memref<28x768xf32, #tpu.memory_space<hbm>>
    %dma_wait3A_39 = tpu.memref_slice %arg10[%dma_wait3A_30] : memref<2x!tpu.dma_semaphore, #tpu.memory_space<semaphore_mem>> -> memref<1x!tpu.dma_semaphore, #tpu.memory_space<semaphore_mem>>
    %dma_wait3A_40 = tpu.memref_squeeze %dma_wait3A_39 : memref<1x!tpu.dma_semaphore, #tpu.memory_space<semaphore_mem>> -> memref<!tpu.dma_semaphore, #tpu.memory_space<semaphore_mem>>
    %dma_wait3A_41 = arith.constant 0 : i32
    %dma_wait3A_42 = arith.constant 0 : i32
    %dma_wait3A_43 = tpu.memref_slice %arg8[%dma_wait3A, %dma_wait3A_41, %dma_wait3A_42] : memref<2x28x768xf32, #tpu.memory_space<vmem>> -> memref<1x28x768xf32, #tpu.memory_space<vmem>>
    %dma_wait3A_44 = tpu.memref_squeeze %dma_wait3A_43 : memref<1x28x768xf32, #tpu.memory_space<vmem>> -> memref<28x768xf32, #tpu.memory_space<vmem>>
    %dma_wait3A_45 = arith.constant 0 : i32
    %dma_wait3A_46 = arith.constant 0 : i32
    %dma_wait3A_47 = tpu.memref_slice %arg2[%add3A_29, %dma_wait3A_45, %dma_wait3A_46] : memref<256x196x768xf32, #tpu.memory_space<hbm>> -> memref<1x28x768xf32, #tpu.memory_space<hbm>>
    %dma_wait3A_48 = tpu.memref_squeeze %dma_wait3A_47 : memref<1x28x768xf32, #tpu.memory_space<hbm>> -> memref<28x768xf32, #tpu.memory_space<hbm>>
    tpu.wait_dma2 semaphore(%dma_wait3A_40 : memref<!tpu.dma_semaphore, #tpu.memory_space<semaphore_mem>>) src(%dma_wait3A_48 : memref<28x768xf32, #tpu.memory_space<hbm>>) dst(%dma_wait3A_44 : memref<28x768xf32, #tpu.memory_space<vmem>>)
    %add3A_49 = arith.constant 0 : i32
    %add3A_50 = arith.addi %multiple_of3A, %add3A_49 : i32
    %dma_start3A_51 = arith.constant 0 : i32
    %dma_start3A_52 = arith.constant 0 : i32
    %dma_start3A_53 = arith.constant 0 : i32
    %dma_start3A_54 = arith.constant 0 : i32
    %dma_start3A_55 = tpu.memref_slice %arg8[%dma_start3A_51, %dma_start3A_53, %dma_start3A_54] : memref<2x28x768xf32, #tpu.memory_space<vmem>> -> memref<1x28x768xf32, #tpu.memory_space<vmem>>
    %dma_start3A_56 = tpu.memref_squeeze %dma_start3A_55 : memref<1x28x768xf32, #tpu.memory_space<vmem>> -> memref<28x768xf32, #tpu.memory_space<vmem>>
    %dma_start3A_57 = arith.constant 10 : i32
    %dma_start3A_58 = arith.constant 0 : i32
    %dma_start3A_59 = tpu.memref_slice %arg5[%add3A_50, %dma_start3A_57, %dma_start3A_58] : memref<256x206x768xf32, #tpu.memory_space<hbm>> -> memref<1x28x768xf32, #tpu.memory_space<hbm>>
    %dma_start3A_60 = tpu.memref_squeeze %dma_start3A_59 : memref<1x28x768xf32, #tpu.memory_space<hbm>> -> memref<28x768xf32, #tpu.memory_space<hbm>>
    %dma_start3A_61 = tpu.memref_slice %arg11[%dma_start3A_52] : memref<2x!tpu.dma_semaphore, #tpu.memory_space<semaphore_mem>> -> memref<1x!tpu.dma_semaphore, #tpu.memory_space<semaphore_mem>>
    %dma_start3A_62 = tpu.memref_squeeze %dma_start3A_61 : memref<1x!tpu.dma_semaphore, #tpu.memory_space<semaphore_mem>> -> memref<!tpu.dma_semaphore, #tpu.memory_space<semaphore_mem>>
    %dma_start3A_63 = arith.constant 10 : i32
    %dma_start3A_64 = arith.constant 0 : i32
    %dma_start3A_65 = tpu.memref_slice %arg5[%add3A_50, %dma_start3A_63, %dma_start3A_64] : memref<256x206x768xf32, #tpu.memory_space<hbm>> -> memref<1x28x768xf32, #tpu.memory_space<hbm>>
    %dma_start3A_66 = tpu.memref_squeeze %dma_start3A_65 : memref<1x28x768xf32, #tpu.memory_space<hbm>> -> memref<28x768xf32, #tpu.memory_space<hbm>>
    %dma_start3A_67 = arith.constant 0 : i32
    %dma_start3A_68 = arith.constant 0 : i32
    %dma_start3A_69 = tpu.memref_slice %arg8[%dma_start3A_51, %dma_start3A_67, %dma_start3A_68] : memref<2x28x768xf32, #tpu.memory_space<vmem>> -> memref<1x28x768xf32, #tpu.memory_space<vmem>>
    %dma_start3A_70 = tpu.memref_squeeze %dma_start3A_69 : memref<1x28x768xf32, #tpu.memory_space<vmem>> -> memref<28x768xf32, #tpu.memory_space<vmem>>
    tpu.enqueue_dma source(%dma_start3A_70 : memref<28x768xf32, #tpu.memory_space<vmem>>) target(%dma_start3A_66 : memref<28x768xf32, #tpu.memory_space<hbm>>) target_semaphore(%dma_start3A_62 : memref<!tpu.dma_semaphore, #tpu.memory_space<semaphore_mem>>)
    %add3A_71 = arith.constant 0 : i32
    %add3A_72 = arith.addi %multiple_of3A, %add3A_71 : i32
    %dma_start3A_73 = arith.constant 1 : i32
    %dma_start3A_74 = arith.constant 1 : i32
    %dma_start3A_75 = arith.constant 0 : i32
    %dma_start3A_76 = arith.constant 0 : i32
    %dma_start3A_77 = tpu.memref_slice %arg8[%dma_start3A_73, %dma_start3A_75, %dma_start3A_76] : memref<2x28x768xf32, #tpu.memory_space<vmem>> -> memref<1x28x768xf32, #tpu.memory_space<vmem>>
    %dma_start3A_78 = tpu.memref_squeeze %dma_start3A_77 : memref<1x28x768xf32, #tpu.memory_space<vmem>> -> memref<28x768xf32, #tpu.memory_space<vmem>>
    %dma_start3A_79 = arith.constant 28 : i32
    %dma_start3A_80 = arith.constant 0 : i32
    %dma_start3A_81 = tpu.memref_slice %arg2[%add3A_72, %dma_start3A_79, %dma_start3A_80] : memref<256x196x768xf32, #tpu.memory_space<hbm>> -> memref<1x28x768xf32, #tpu.memory_space<hbm>>
    %dma_start3A_82 = tpu.memref_squeeze %dma_start3A_81 : memref<1x28x768xf32, #tpu.memory_space<hbm>> -> memref<28x768xf32, #tpu.memory_space<hbm>>
    %dma_start3A_83 = tpu.memref_slice %arg10[%dma_start3A_74] : memref<2x!tpu.dma_semaphore, #tpu.memory_space<semaphore_mem>> -> memref<1x!tpu.dma_semaphore, #tpu.memory_space<semaphore_mem>>
    %dma_start3A_84 = tpu.memref_squeeze %dma_start3A_83 : memref<1x!tpu.dma_semaphore, #tpu.memory_space<semaphore_mem>> -> memref<!tpu.dma_semaphore, #tpu.memory_space<semaphore_mem>>
    %dma_start3A_85 = arith.constant 0 : i32
    %dma_start3A_86 = arith.constant 0 : i32
    %dma_start3A_87 = tpu.memref_slice %arg8[%dma_start3A_73, %dma_start3A_85, %dma_start3A_86] : memref<2x28x768xf32, #tpu.memory_space<vmem>> -> memref<1x28x768xf32, #tpu.memory_space<vmem>>
    %dma_start3A_88 = tpu.memref_squeeze %dma_start3A_87 : memref<1x28x768xf32, #tpu.memory_space<vmem>> -> memref<28x768xf32, #tpu.memory_space<vmem>>
    %dma_start3A_89 = arith.constant 28 : i32
    %dma_start3A_90 = arith.constant 0 : i32
    %dma_start3A_91 = tpu.memref_slice %arg2[%add3A_72, %dma_start3A_89, %dma_start3A_90] : memref<256x196x768xf32, #tpu.memory_space<hbm>> -> memref<1x28x768xf32, #tpu.memory_space<hbm>>
    %dma_start3A_92 = tpu.memref_squeeze %dma_start3A_91 : memref<1x28x768xf32, #tpu.memory_space<hbm>> -> memref<28x768xf32, #tpu.memory_space<hbm>>
    tpu.enqueue_dma source(%dma_start3A_92 : memref<28x768xf32, #tpu.memory_space<hbm>>) target(%dma_start3A_88 : memref<28x768xf32, #tpu.memory_space<vmem>>) target_semaphore(%dma_start3A_84 : memref<!tpu.dma_semaphore, #tpu.memory_space<semaphore_mem>>)
    %scan3A = arith.constant 0 : i32
    %scan3A_93 = arith.constant 0 : i32
    %scan3A_94 = arith.constant 27 : i32
    %scan3A_95 = arith.addi %scan3A_93, %scan3A_94 : i32
    %scan3A_96 = arith.constant 1 : i32
    scf.for %scan3A_478 = %scan3A_93 to %scan3A_95 step %scan3A_96  : i32 {
      %mul3A_479 = arith.constant 2 : i32
      %mul3A_480 = arith.muli %mul3A_479, %scan3A_478 : i32
      %add3A_481 = arith.constant 1 : i32
      %add3A_482 = arith.addi %mul3A_480, %add3A_481 : i32
      %jit3A = arith.constant 7 : i32
      %div3A = arith.divsi %add3A_482, %jit3A : i32
      %sign3A = arith.constant 0 : i32
      %sign3A_483 = arith.cmpi sgt, %add3A_482, %sign3A : i32
      %sign3A_484 = arith.extui %sign3A_483 : i1 to i32
      %sign3A_485 = arith.constant 0 : i32
      %sign3A_486 = arith.cmpi slt, %add3A_482, %sign3A_485 : i32
      %sign3A_487 = arith.extui %sign3A_486 : i1 to i32
      %sign3A_488 = arith.subi %sign3A_484, %sign3A_487 : i32
      %sign3A_489 = arith.constant 0 : i32
      %sign3A_490 = arith.cmpi sgt, %jit3A, %sign3A_489 : i32
      %sign3A_491 = arith.extui %sign3A_490 : i1 to i32
      %sign3A_492 = arith.constant 0 : i32
      %sign3A_493 = arith.cmpi slt, %jit3A, %sign3A_492 : i32
      %sign3A_494 = arith.extui %sign3A_493 : i1 to i32
      %sign3A_495 = arith.subi %sign3A_491, %sign3A_494 : i32
      %ne3A = arith.cmpi ne, %sign3A_488, %sign3A_495 : i32
      %rem3A = arith.remsi %add3A_482, %jit3A : i32
      %ne3A_496 = arith.constant 0 : i32
      %ne3A_497 = arith.cmpi ne, %rem3A, %ne3A_496 : i32
      %and3A = arith.andi %ne3A, %ne3A_497 : i1
      %sub3A = arith.constant 1 : i32
      %sub3A_498 = arith.subi %div3A, %sub3A : i32
      %select_n3A = arith.select %and3A, %sub3A_498, %div3A : i32
      %jit3A_499 = arith.constant 7 : i32
      %eq3A = arith.constant 0 : i32
      %eq3A_500 = arith.cmpi eq, %jit3A_499, %eq3A : i32
      %jit3A_501 = arith.constant 1 : i32
      %select_n3A_502 = arith.select %eq3A_500, %jit3A_501, %jit3A_499 : i32
      %rem3A_503 = arith.remsi %add3A_482, %select_n3A_502 : i32
      %ne3A_504 = arith.constant 0 : i32
      %ne3A_505 = arith.cmpi ne, %rem3A_503, %ne3A_504 : i32
      %lt3A = arith.constant 0 : i32
      %lt3A_506 = arith.cmpi slt, %rem3A_503, %lt3A : i32
      %lt3A_507 = arith.constant 0 : i32
      %lt3A_508 = arith.cmpi slt, %select_n3A_502, %lt3A_507 : i32
      %ne3A_509 = arith.xori %lt3A_506, %lt3A_508 : i1
      %and3A_510 = arith.andi %ne3A_509, %ne3A_505 : i1
      %add3A_511 = arith.addi %rem3A_503, %select_n3A_502 : i32
      %select_n3A_512 = arith.select %and3A_510, %add3A_511, %rem3A_503 : i32
      %add3A_513 = arith.addi %multiple_of3A, %select_n3A : i32
      %mul3A_514 = arith.constant 28 : i32
      %mul3A_515 = arith.muli %select_n3A_512, %mul3A_514 : i32
      %dma_wait3A_516 = arith.constant 1 : i32
      %dma_wait3A_517 = arith.constant 1 : i32
      %dma_wait3A_518 = arith.constant 0 : i32
      %dma_wait3A_519 = arith.constant 0 : i32
      %dma_wait3A_520 = tpu.memref_slice %arg8[%dma_wait3A_516, %dma_wait3A_518, %dma_wait3A_519] : memref<2x28x768xf32, #tpu.memory_space<vmem>> -> memref<1x28x768xf32, #tpu.memory_space<vmem>>
      %dma_wait3A_521 = tpu.memref_squeeze %dma_wait3A_520 : memref<1x28x768xf32, #tpu.memory_space<vmem>> -> memref<28x768xf32, #tpu.memory_space<vmem>>
      %dma_wait3A_522 = arith.constant 0 : i32
      %dma_wait3A_523 = tpu.memref_slice %arg2[%add3A_513, %mul3A_515, %dma_wait3A_522] : memref<256x196x768xf32, #tpu.memory_space<hbm>> -> memref<1x28x768xf32, #tpu.memory_space<hbm>>
      %dma_wait3A_524 = tpu.memref_squeeze %dma_wait3A_523 : memref<1x28x768xf32, #tpu.memory_space<hbm>> -> memref<28x768xf32, #tpu.memory_space<hbm>>
      %dma_wait3A_525 = tpu.memref_slice %arg10[%dma_wait3A_517] : memref<2x!tpu.dma_semaphore, #tpu.memory_space<semaphore_mem>> -> memref<1x!tpu.dma_semaphore, #tpu.memory_space<semaphore_mem>>
      %dma_wait3A_526 = tpu.memref_squeeze %dma_wait3A_525 : memref<1x!tpu.dma_semaphore, #tpu.memory_space<semaphore_mem>> -> memref<!tpu.dma_semaphore, #tpu.memory_space<semaphore_mem>>
      %dma_wait3A_527 = arith.constant 0 : i32
      %dma_wait3A_528 = arith.constant 0 : i32
      %dma_wait3A_529 = tpu.memref_slice %arg8[%dma_wait3A_516, %dma_wait3A_527, %dma_wait3A_528] : memref<2x28x768xf32, #tpu.memory_space<vmem>> -> memref<1x28x768xf32, #tpu.memory_space<vmem>>
      %dma_wait3A_530 = tpu.memref_squeeze %dma_wait3A_529 : memref<1x28x768xf32, #tpu.memory_space<vmem>> -> memref<28x768xf32, #tpu.memory_space<vmem>>
      %dma_wait3A_531 = arith.constant 0 : i32
      %dma_wait3A_532 = tpu.memref_slice %arg2[%add3A_513, %mul3A_515, %dma_wait3A_531] : memref<256x196x768xf32, #tpu.memory_space<hbm>> -> memref<1x28x768xf32, #tpu.memory_space<hbm>>
      %dma_wait3A_533 = tpu.memref_squeeze %dma_wait3A_532 : memref<1x28x768xf32, #tpu.memory_space<hbm>> -> memref<28x768xf32, #tpu.memory_space<hbm>>
      tpu.wait_dma2 semaphore(%dma_wait3A_526 : memref<!tpu.dma_semaphore, #tpu.memory_space<semaphore_mem>>) src(%dma_wait3A_533 : memref<28x768xf32, #tpu.memory_space<hbm>>) dst(%dma_wait3A_530 : memref<28x768xf32, #tpu.memory_space<vmem>>)
      %jit3A_534 = arith.constant 7 : i32
      %div3A_535 = arith.divsi %add3A_482, %jit3A_534 : i32
      %sign3A_536 = arith.constant 0 : i32
      %sign3A_537 = arith.cmpi sgt, %add3A_482, %sign3A_536 : i32
      %sign3A_538 = arith.extui %sign3A_537 : i1 to i32
      %sign3A_539 = arith.constant 0 : i32
      %sign3A_540 = arith.cmpi slt, %add3A_482, %sign3A_539 : i32
      %sign3A_541 = arith.extui %sign3A_540 : i1 to i32
      %sign3A_542 = arith.subi %sign3A_538, %sign3A_541 : i32
      %sign3A_543 = arith.constant 0 : i32
      %sign3A_544 = arith.cmpi sgt, %jit3A_534, %sign3A_543 : i32
      %sign3A_545 = arith.extui %sign3A_544 : i1 to i32
      %sign3A_546 = arith.constant 0 : i32
      %sign3A_547 = arith.cmpi slt, %jit3A_534, %sign3A_546 : i32
      %sign3A_548 = arith.extui %sign3A_547 : i1 to i32
      %sign3A_549 = arith.subi %sign3A_545, %sign3A_548 : i32
      %ne3A_550 = arith.cmpi ne, %sign3A_542, %sign3A_549 : i32
      %rem3A_551 = arith.remsi %add3A_482, %jit3A_534 : i32
      %ne3A_552 = arith.constant 0 : i32
      %ne3A_553 = arith.cmpi ne, %rem3A_551, %ne3A_552 : i32
      %and3A_554 = arith.andi %ne3A_550, %ne3A_553 : i1
      %sub3A_555 = arith.constant 1 : i32
      %sub3A_556 = arith.subi %div3A_535, %sub3A_555 : i32
      %select_n3A_557 = arith.select %and3A_554, %sub3A_556, %div3A_535 : i32
      %jit3A_558 = arith.constant 7 : i32
      %eq3A_559 = arith.constant 0 : i32
      %eq3A_560 = arith.cmpi eq, %jit3A_558, %eq3A_559 : i32
      %jit3A_561 = arith.constant 1 : i32
      %select_n3A_562 = arith.select %eq3A_560, %jit3A_561, %jit3A_558 : i32
      %rem3A_563 = arith.remsi %add3A_482, %select_n3A_562 : i32
      %ne3A_564 = arith.constant 0 : i32
      %ne3A_565 = arith.cmpi ne, %rem3A_563, %ne3A_564 : i32
      %lt3A_566 = arith.constant 0 : i32
      %lt3A_567 = arith.cmpi slt, %rem3A_563, %lt3A_566 : i32
      %lt3A_568 = arith.constant 0 : i32
      %lt3A_569 = arith.cmpi slt, %select_n3A_562, %lt3A_568 : i32
      %ne3A_570 = arith.xori %lt3A_567, %lt3A_569 : i1
      %and3A_571 = arith.andi %ne3A_570, %ne3A_565 : i1
      %add3A_572 = arith.addi %rem3A_563, %select_n3A_562 : i32
      %select_n3A_573 = arith.select %and3A_571, %add3A_572, %rem3A_563 : i32
      %add3A_574 = arith.addi %multiple_of3A, %select_n3A_557 : i32
      %mul3A_575 = arith.constant 28 : i32
      %mul3A_576 = arith.muli %select_n3A_573, %mul3A_575 : i32
      %add3A_577 = arith.constant 10 : i32
      %add3A_578 = arith.addi %add3A_577, %mul3A_576 : i32
      %dma_start3A_579 = arith.constant 1 : i32
      %dma_start3A_580 = arith.constant 1 : i32
      %dma_start3A_581 = arith.constant 0 : i32
      %dma_start3A_582 = arith.constant 0 : i32
      %dma_start3A_583 = tpu.memref_slice %arg8[%dma_start3A_579, %dma_start3A_581, %dma_start3A_582] : memref<2x28x768xf32, #tpu.memory_space<vmem>> -> memref<1x28x768xf32, #tpu.memory_space<vmem>>
      %dma_start3A_584 = tpu.memref_squeeze %dma_start3A_583 : memref<1x28x768xf32, #tpu.memory_space<vmem>> -> memref<28x768xf32, #tpu.memory_space<vmem>>
      %dma_start3A_585 = arith.constant 0 : i32
      %dma_start3A_586 = tpu.memref_slice %arg5[%add3A_574, %add3A_578, %dma_start3A_585] : memref<256x206x768xf32, #tpu.memory_space<hbm>> -> memref<1x28x768xf32, #tpu.memory_space<hbm>>
      %dma_start3A_587 = tpu.memref_squeeze %dma_start3A_586 : memref<1x28x768xf32, #tpu.memory_space<hbm>> -> memref<28x768xf32, #tpu.memory_space<hbm>>
      %dma_start3A_588 = tpu.memref_slice %arg11[%dma_start3A_580] : memref<2x!tpu.dma_semaphore, #tpu.memory_space<semaphore_mem>> -> memref<1x!tpu.dma_semaphore, #tpu.memory_space<semaphore_mem>>
      %dma_start3A_589 = tpu.memref_squeeze %dma_start3A_588 : memref<1x!tpu.dma_semaphore, #tpu.memory_space<semaphore_mem>> -> memref<!tpu.dma_semaphore, #tpu.memory_space<semaphore_mem>>
      %dma_start3A_590 = arith.constant 0 : i32
      %dma_start3A_591 = tpu.memref_slice %arg5[%add3A_574, %add3A_578, %dma_start3A_590] : memref<256x206x768xf32, #tpu.memory_space<hbm>> -> memref<1x28x768xf32, #tpu.memory_space<hbm>>
      %dma_start3A_592 = tpu.memref_squeeze %dma_start3A_591 : memref<1x28x768xf32, #tpu.memory_space<hbm>> -> memref<28x768xf32, #tpu.memory_space<hbm>>
      %dma_start3A_593 = arith.constant 0 : i32
      %dma_start3A_594 = arith.constant 0 : i32
      %dma_start3A_595 = tpu.memref_slice %arg8[%dma_start3A_579, %dma_start3A_593, %dma_start3A_594] : memref<2x28x768xf32, #tpu.memory_space<vmem>> -> memref<1x28x768xf32, #tpu.memory_space<vmem>>
      %dma_start3A_596 = tpu.memref_squeeze %dma_start3A_595 : memref<1x28x768xf32, #tpu.memory_space<vmem>> -> memref<28x768xf32, #tpu.memory_space<vmem>>
      tpu.enqueue_dma source(%dma_start3A_596 : memref<28x768xf32, #tpu.memory_space<vmem>>) target(%dma_start3A_592 : memref<28x768xf32, #tpu.memory_space<hbm>>) target_semaphore(%dma_start3A_589 : memref<!tpu.dma_semaphore, #tpu.memory_space<semaphore_mem>>)
      %sub3A_597 = arith.constant 1 : i32
      %sub3A_598 = arith.subi %add3A_482, %sub3A_597 : i32
      %jit3A_599 = arith.constant 7 : i32
      %div3A_600 = arith.divsi %sub3A_598, %jit3A_599 : i32
      %sign3A_601 = arith.constant 0 : i32
      %sign3A_602 = arith.cmpi sgt, %sub3A_598, %sign3A_601 : i32
      %sign3A_603 = arith.extui %sign3A_602 : i1 to i32
      %sign3A_604 = arith.constant 0 : i32
      %sign3A_605 = arith.cmpi slt, %sub3A_598, %sign3A_604 : i32
      %sign3A_606 = arith.extui %sign3A_605 : i1 to i32
      %sign3A_607 = arith.subi %sign3A_603, %sign3A_606 : i32
      %sign3A_608 = arith.constant 0 : i32
      %sign3A_609 = arith.cmpi sgt, %jit3A_599, %sign3A_608 : i32
      %sign3A_610 = arith.extui %sign3A_609 : i1 to i32
      %sign3A_611 = arith.constant 0 : i32
      %sign3A_612 = arith.cmpi slt, %jit3A_599, %sign3A_611 : i32
      %sign3A_613 = arith.extui %sign3A_612 : i1 to i32
      %sign3A_614 = arith.subi %sign3A_610, %sign3A_613 : i32
      %ne3A_615 = arith.cmpi ne, %sign3A_607, %sign3A_614 : i32
      %rem3A_616 = arith.remsi %sub3A_598, %jit3A_599 : i32
      %ne3A_617 = arith.constant 0 : i32
      %ne3A_618 = arith.cmpi ne, %rem3A_616, %ne3A_617 : i32
      %and3A_619 = arith.andi %ne3A_615, %ne3A_618 : i1
      %sub3A_620 = arith.constant 1 : i32
      %sub3A_621 = arith.subi %div3A_600, %sub3A_620 : i32
      %select_n3A_622 = arith.select %and3A_619, %sub3A_621, %div3A_600 : i32
      %jit3A_623 = arith.constant 7 : i32
      %eq3A_624 = arith.constant 0 : i32
      %eq3A_625 = arith.cmpi eq, %jit3A_623, %eq3A_624 : i32
      %jit3A_626 = arith.constant 1 : i32
      %select_n3A_627 = arith.select %eq3A_625, %jit3A_626, %jit3A_623 : i32
      %rem3A_628 = arith.remsi %sub3A_598, %select_n3A_627 : i32
      %ne3A_629 = arith.constant 0 : i32
      %ne3A_630 = arith.cmpi ne, %rem3A_628, %ne3A_629 : i32
      %lt3A_631 = arith.constant 0 : i32
      %lt3A_632 = arith.cmpi slt, %rem3A_628, %lt3A_631 : i32
      %lt3A_633 = arith.constant 0 : i32
      %lt3A_634 = arith.cmpi slt, %select_n3A_627, %lt3A_633 : i32
      %ne3A_635 = arith.xori %lt3A_632, %lt3A_634 : i1
      %and3A_636 = arith.andi %ne3A_635, %ne3A_630 : i1
      %add3A_637 = arith.addi %rem3A_628, %select_n3A_627 : i32
      %select_n3A_638 = arith.select %and3A_636, %add3A_637, %rem3A_628 : i32
      %add3A_639 = arith.addi %multiple_of3A, %select_n3A_622 : i32
      %mul3A_640 = arith.constant 28 : i32
      %mul3A_641 = arith.muli %select_n3A_638, %mul3A_640 : i32
      %add3A_642 = arith.constant 10 : i32
      %add3A_643 = arith.addi %add3A_642, %mul3A_641 : i32
      %dma_wait3A_644 = arith.constant 0 : i32
      %dma_wait3A_645 = arith.constant 0 : i32
      %dma_wait3A_646 = arith.constant 0 : i32
      %dma_wait3A_647 = arith.constant 0 : i32
      %dma_wait3A_648 = tpu.memref_slice %arg8[%dma_wait3A_644, %dma_wait3A_646, %dma_wait3A_647] : memref<2x28x768xf32, #tpu.memory_space<vmem>> -> memref<1x28x768xf32, #tpu.memory_space<vmem>>
      %dma_wait3A_649 = tpu.memref_squeeze %dma_wait3A_648 : memref<1x28x768xf32, #tpu.memory_space<vmem>> -> memref<28x768xf32, #tpu.memory_space<vmem>>
      %dma_wait3A_650 = arith.constant 0 : i32
      %dma_wait3A_651 = tpu.memref_slice %arg5[%add3A_639, %add3A_643, %dma_wait3A_650] : memref<256x206x768xf32, #tpu.memory_space<hbm>> -> memref<1x28x768xf32, #tpu.memory_space<hbm>>
      %dma_wait3A_652 = tpu.memref_squeeze %dma_wait3A_651 : memref<1x28x768xf32, #tpu.memory_space<hbm>> -> memref<28x768xf32, #tpu.memory_space<hbm>>
      %dma_wait3A_653 = tpu.memref_slice %arg11[%dma_wait3A_645] : memref<2x!tpu.dma_semaphore, #tpu.memory_space<semaphore_mem>> -> memref<1x!tpu.dma_semaphore, #tpu.memory_space<semaphore_mem>>
      %dma_wait3A_654 = tpu.memref_squeeze %dma_wait3A_653 : memref<1x!tpu.dma_semaphore, #tpu.memory_space<semaphore_mem>> -> memref<!tpu.dma_semaphore, #tpu.memory_space<semaphore_mem>>
      %dma_wait3A_655 = arith.constant 0 : i32
      %dma_wait3A_656 = tpu.memref_slice %arg5[%add3A_639, %add3A_643, %dma_wait3A_655] : memref<256x206x768xf32, #tpu.memory_space<hbm>> -> memref<1x28x768xf32, #tpu.memory_space<hbm>>
      %dma_wait3A_657 = tpu.memref_squeeze %dma_wait3A_656 : memref<1x28x768xf32, #tpu.memory_space<hbm>> -> memref<28x768xf32, #tpu.memory_space<hbm>>
      %dma_wait3A_658 = arith.constant 0 : i32
      %dma_wait3A_659 = arith.constant 0 : i32
      %dma_wait3A_660 = tpu.memref_slice %arg8[%dma_wait3A_644, %dma_wait3A_658, %dma_wait3A_659] : memref<2x28x768xf32, #tpu.memory_space<vmem>> -> memref<1x28x768xf32, #tpu.memory_space<vmem>>
      %dma_wait3A_661 = tpu.memref_squeeze %dma_wait3A_660 : memref<1x28x768xf32, #tpu.memory_space<vmem>> -> memref<28x768xf32, #tpu.memory_space<vmem>>
      tpu.wait_dma2 semaphore(%dma_wait3A_654 : memref<!tpu.dma_semaphore, #tpu.memory_space<semaphore_mem>>) src(%dma_wait3A_661 : memref<28x768xf32, #tpu.memory_space<vmem>>) dst(%dma_wait3A_657 : memref<28x768xf32, #tpu.memory_space<hbm>>)
      %add3A_662 = arith.constant 1 : i32
      %add3A_663 = arith.addi %add3A_482, %add3A_662 : i32
      %jit3A_664 = arith.constant 7 : i32
      %div3A_665 = arith.divsi %add3A_663, %jit3A_664 : i32
      %sign3A_666 = arith.constant 0 : i32
      %sign3A_667 = arith.cmpi sgt, %add3A_663, %sign3A_666 : i32
      %sign3A_668 = arith.extui %sign3A_667 : i1 to i32
      %sign3A_669 = arith.constant 0 : i32
      %sign3A_670 = arith.cmpi slt, %add3A_663, %sign3A_669 : i32
      %sign3A_671 = arith.extui %sign3A_670 : i1 to i32
      %sign3A_672 = arith.subi %sign3A_668, %sign3A_671 : i32
      %sign3A_673 = arith.constant 0 : i32
      %sign3A_674 = arith.cmpi sgt, %jit3A_664, %sign3A_673 : i32
      %sign3A_675 = arith.extui %sign3A_674 : i1 to i32
      %sign3A_676 = arith.constant 0 : i32
      %sign3A_677 = arith.cmpi slt, %jit3A_664, %sign3A_676 : i32
      %sign3A_678 = arith.extui %sign3A_677 : i1 to i32
      %sign3A_679 = arith.subi %sign3A_675, %sign3A_678 : i32
      %ne3A_680 = arith.cmpi ne, %sign3A_672, %sign3A_679 : i32
      %rem3A_681 = arith.remsi %add3A_663, %jit3A_664 : i32
      %ne3A_682 = arith.constant 0 : i32
      %ne3A_683 = arith.cmpi ne, %rem3A_681, %ne3A_682 : i32
      %and3A_684 = arith.andi %ne3A_680, %ne3A_683 : i1
      %sub3A_685 = arith.constant 1 : i32
      %sub3A_686 = arith.subi %div3A_665, %sub3A_685 : i32
      %select_n3A_687 = arith.select %and3A_684, %sub3A_686, %div3A_665 : i32
      %jit3A_688 = arith.constant 7 : i32
      %eq3A_689 = arith.constant 0 : i32
      %eq3A_690 = arith.cmpi eq, %jit3A_688, %eq3A_689 : i32
      %jit3A_691 = arith.constant 1 : i32
      %select_n3A_692 = arith.select %eq3A_690, %jit3A_691, %jit3A_688 : i32
      %rem3A_693 = arith.remsi %add3A_663, %select_n3A_692 : i32
      %ne3A_694 = arith.constant 0 : i32
      %ne3A_695 = arith.cmpi ne, %rem3A_693, %ne3A_694 : i32
      %lt3A_696 = arith.constant 0 : i32
      %lt3A_697 = arith.cmpi slt, %rem3A_693, %lt3A_696 : i32
      %lt3A_698 = arith.constant 0 : i32
      %lt3A_699 = arith.cmpi slt, %select_n3A_692, %lt3A_698 : i32
      %ne3A_700 = arith.xori %lt3A_697, %lt3A_699 : i1
      %and3A_701 = arith.andi %ne3A_700, %ne3A_695 : i1
      %add3A_702 = arith.addi %rem3A_693, %select_n3A_692 : i32
      %select_n3A_703 = arith.select %and3A_701, %add3A_702, %rem3A_693 : i32
      %add3A_704 = arith.addi %multiple_of3A, %select_n3A_687 : i32
      %mul3A_705 = arith.constant 28 : i32
      %mul3A_706 = arith.muli %select_n3A_703, %mul3A_705 : i32
      %dma_start3A_707 = arith.constant 0 : i32
      %dma_start3A_708 = arith.constant 0 : i32
      %dma_start3A_709 = arith.constant 0 : i32
      %dma_start3A_710 = arith.constant 0 : i32
      %dma_start3A_711 = tpu.memref_slice %arg8[%dma_start3A_707, %dma_start3A_709, %dma_start3A_710] : memref<2x28x768xf32, #tpu.memory_space<vmem>> -> memref<1x28x768xf32, #tpu.memory_space<vmem>>
      %dma_start3A_712 = tpu.memref_squeeze %dma_start3A_711 : memref<1x28x768xf32, #tpu.memory_space<vmem>> -> memref<28x768xf32, #tpu.memory_space<vmem>>
      %dma_start3A_713 = arith.constant 0 : i32
      %dma_start3A_714 = tpu.memref_slice %arg2[%add3A_704, %mul3A_706, %dma_start3A_713] : memref<256x196x768xf32, #tpu.memory_space<hbm>> -> memref<1x28x768xf32, #tpu.memory_space<hbm>>
      %dma_start3A_715 = tpu.memref_squeeze %dma_start3A_714 : memref<1x28x768xf32, #tpu.memory_space<hbm>> -> memref<28x768xf32, #tpu.memory_space<hbm>>
      %dma_start3A_716 = tpu.memref_slice %arg10[%dma_start3A_708] : memref<2x!tpu.dma_semaphore, #tpu.memory_space<semaphore_mem>> -> memref<1x!tpu.dma_semaphore, #tpu.memory_space<semaphore_mem>>
      %dma_start3A_717 = tpu.memref_squeeze %dma_start3A_716 : memref<1x!tpu.dma_semaphore, #tpu.memory_space<semaphore_mem>> -> memref<!tpu.dma_semaphore, #tpu.memory_space<semaphore_mem>>
      %dma_start3A_718 = arith.constant 0 : i32
      %dma_start3A_719 = arith.constant 0 : i32
      %dma_start3A_720 = tpu.memref_slice %arg8[%dma_start3A_707, %dma_start3A_718, %dma_start3A_719] : memref<2x28x768xf32, #tpu.memory_space<vmem>> -> memref<1x28x768xf32, #tpu.memory_space<vmem>>
      %dma_start3A_721 = tpu.memref_squeeze %dma_start3A_720 : memref<1x28x768xf32, #tpu.memory_space<vmem>> -> memref<28x768xf32, #tpu.memory_space<vmem>>
      %dma_start3A_722 = arith.constant 0 : i32
      %dma_start3A_723 = tpu.memref_slice %arg2[%add3A_704, %mul3A_706, %dma_start3A_722] : memref<256x196x768xf32, #tpu.memory_space<hbm>> -> memref<1x28x768xf32, #tpu.memory_space<hbm>>
      %dma_start3A_724 = tpu.memref_squeeze %dma_start3A_723 : memref<1x28x768xf32, #tpu.memory_space<hbm>> -> memref<28x768xf32, #tpu.memory_space<hbm>>
      tpu.enqueue_dma source(%dma_start3A_724 : memref<28x768xf32, #tpu.memory_space<hbm>>) target(%dma_start3A_721 : memref<28x768xf32, #tpu.memory_space<vmem>>) target_semaphore(%dma_start3A_717 : memref<!tpu.dma_semaphore, #tpu.memory_space<semaphore_mem>>)
      %mul3A_725 = arith.constant 2 : i32
      %mul3A_726 = arith.muli %mul3A_725, %scan3A_478 : i32
      %add3A_727 = arith.constant 2 : i32
      %add3A_728 = arith.addi %mul3A_726, %add3A_727 : i32
      %jit3A_729 = arith.constant 7 : i32
      %div3A_730 = arith.divsi %add3A_728, %jit3A_729 : i32
      %sign3A_731 = arith.constant 0 : i32
      %sign3A_732 = arith.cmpi sgt, %add3A_728, %sign3A_731 : i32
      %sign3A_733 = arith.extui %sign3A_732 : i1 to i32
      %sign3A_734 = arith.constant 0 : i32
      %sign3A_735 = arith.cmpi slt, %add3A_728, %sign3A_734 : i32
      %sign3A_736 = arith.extui %sign3A_735 : i1 to i32
      %sign3A_737 = arith.subi %sign3A_733, %sign3A_736 : i32
      %sign3A_738 = arith.constant 0 : i32
      %sign3A_739 = arith.cmpi sgt, %jit3A_729, %sign3A_738 : i32
      %sign3A_740 = arith.extui %sign3A_739 : i1 to i32
      %sign3A_741 = arith.constant 0 : i32
      %sign3A_742 = arith.cmpi slt, %jit3A_729, %sign3A_741 : i32
      %sign3A_743 = arith.extui %sign3A_742 : i1 to i32
      %sign3A_744 = arith.subi %sign3A_740, %sign3A_743 : i32
      %ne3A_745 = arith.cmpi ne, %sign3A_737, %sign3A_744 : i32
      %rem3A_746 = arith.remsi %add3A_728, %jit3A_729 : i32
      %ne3A_747 = arith.constant 0 : i32
      %ne3A_748 = arith.cmpi ne, %rem3A_746, %ne3A_747 : i32
      %and3A_749 = arith.andi %ne3A_745, %ne3A_748 : i1
      %sub3A_750 = arith.constant 1 : i32
      %sub3A_751 = arith.subi %div3A_730, %sub3A_750 : i32
      %select_n3A_752 = arith.select %and3A_749, %sub3A_751, %div3A_730 : i32
      %jit3A_753 = arith.constant 7 : i32
      %eq3A_754 = arith.constant 0 : i32
      %eq3A_755 = arith.cmpi eq, %jit3A_753, %eq3A_754 : i32
      %jit3A_756 = arith.constant 1 : i32
      %select_n3A_757 = arith.select %eq3A_755, %jit3A_756, %jit3A_753 : i32
      %rem3A_758 = arith.remsi %add3A_728, %select_n3A_757 : i32
      %ne3A_759 = arith.constant 0 : i32
      %ne3A_760 = arith.cmpi ne, %rem3A_758, %ne3A_759 : i32
      %lt3A_761 = arith.constant 0 : i32
      %lt3A_762 = arith.cmpi slt, %rem3A_758, %lt3A_761 : i32
      %lt3A_763 = arith.constant 0 : i32
      %lt3A_764 = arith.cmpi slt, %select_n3A_757, %lt3A_763 : i32
      %ne3A_765 = arith.xori %lt3A_762, %lt3A_764 : i1
      %and3A_766 = arith.andi %ne3A_765, %ne3A_760 : i1
      %add3A_767 = arith.addi %rem3A_758, %select_n3A_757 : i32
      %select_n3A_768 = arith.select %and3A_766, %add3A_767, %rem3A_758 : i32
      %add3A_769 = arith.addi %multiple_of3A, %select_n3A_752 : i32
      %mul3A_770 = arith.constant 28 : i32
      %mul3A_771 = arith.muli %select_n3A_768, %mul3A_770 : i32
      %dma_wait3A_772 = arith.constant 0 : i32
      %dma_wait3A_773 = arith.constant 0 : i32
      %dma_wait3A_774 = arith.constant 0 : i32
      %dma_wait3A_775 = arith.constant 0 : i32
      %dma_wait3A_776 = tpu.memref_slice %arg8[%dma_wait3A_772, %dma_wait3A_774, %dma_wait3A_775] : memref<2x28x768xf32, #tpu.memory_space<vmem>> -> memref<1x28x768xf32, #tpu.memory_space<vmem>>
      %dma_wait3A_777 = tpu.memref_squeeze %dma_wait3A_776 : memref<1x28x768xf32, #tpu.memory_space<vmem>> -> memref<28x768xf32, #tpu.memory_space<vmem>>
      %dma_wait3A_778 = arith.constant 0 : i32
      %dma_wait3A_779 = tpu.memref_slice %arg2[%add3A_769, %mul3A_771, %dma_wait3A_778] : memref<256x196x768xf32, #tpu.memory_space<hbm>> -> memref<1x28x768xf32, #tpu.memory_space<hbm>>
      %dma_wait3A_780 = tpu.memref_squeeze %dma_wait3A_779 : memref<1x28x768xf32, #tpu.memory_space<hbm>> -> memref<28x768xf32, #tpu.memory_space<hbm>>
      %dma_wait3A_781 = tpu.memref_slice %arg10[%dma_wait3A_773] : memref<2x!tpu.dma_semaphore, #tpu.memory_space<semaphore_mem>> -> memref<1x!tpu.dma_semaphore, #tpu.memory_space<semaphore_mem>>
      %dma_wait3A_782 = tpu.memref_squeeze %dma_wait3A_781 : memref<1x!tpu.dma_semaphore, #tpu.memory_space<semaphore_mem>> -> memref<!tpu.dma_semaphore, #tpu.memory_space<semaphore_mem>>
      %dma_wait3A_783 = arith.constant 0 : i32
      %dma_wait3A_784 = arith.constant 0 : i32
      %dma_wait3A_785 = tpu.memref_slice %arg8[%dma_wait3A_772, %dma_wait3A_783, %dma_wait3A_784] : memref<2x28x768xf32, #tpu.memory_space<vmem>> -> memref<1x28x768xf32, #tpu.memory_space<vmem>>
      %dma_wait3A_786 = tpu.memref_squeeze %dma_wait3A_785 : memref<1x28x768xf32, #tpu.memory_space<vmem>> -> memref<28x768xf32, #tpu.memory_space<vmem>>
      %dma_wait3A_787 = arith.constant 0 : i32
      %dma_wait3A_788 = tpu.memref_slice %arg2[%add3A_769, %mul3A_771, %dma_wait3A_787] : memref<256x196x768xf32, #tpu.memory_space<hbm>> -> memref<1x28x768xf32, #tpu.memory_space<hbm>>
      %dma_wait3A_789 = tpu.memref_squeeze %dma_wait3A_788 : memref<1x28x768xf32, #tpu.memory_space<hbm>> -> memref<28x768xf32, #tpu.memory_space<hbm>>
      tpu.wait_dma2 semaphore(%dma_wait3A_782 : memref<!tpu.dma_semaphore, #tpu.memory_space<semaphore_mem>>) src(%dma_wait3A_789 : memref<28x768xf32, #tpu.memory_space<hbm>>) dst(%dma_wait3A_786 : memref<28x768xf32, #tpu.memory_space<vmem>>)
      %jit3A_790 = arith.constant 7 : i32
      %div3A_791 = arith.divsi %add3A_728, %jit3A_790 : i32
      %sign3A_792 = arith.constant 0 : i32
      %sign3A_793 = arith.cmpi sgt, %add3A_728, %sign3A_792 : i32
      %sign3A_794 = arith.extui %sign3A_793 : i1 to i32
      %sign3A_795 = arith.constant 0 : i32
      %sign3A_796 = arith.cmpi slt, %add3A_728, %sign3A_795 : i32
      %sign3A_797 = arith.extui %sign3A_796 : i1 to i32
      %sign3A_798 = arith.subi %sign3A_794, %sign3A_797 : i32
      %sign3A_799 = arith.constant 0 : i32
      %sign3A_800 = arith.cmpi sgt, %jit3A_790, %sign3A_799 : i32
      %sign3A_801 = arith.extui %sign3A_800 : i1 to i32
      %sign3A_802 = arith.constant 0 : i32
      %sign3A_803 = arith.cmpi slt, %jit3A_790, %sign3A_802 : i32
      %sign3A_804 = arith.extui %sign3A_803 : i1 to i32
      %sign3A_805 = arith.subi %sign3A_801, %sign3A_804 : i32
      %ne3A_806 = arith.cmpi ne, %sign3A_798, %sign3A_805 : i32
      %rem3A_807 = arith.remsi %add3A_728, %jit3A_790 : i32
      %ne3A_808 = arith.constant 0 : i32
      %ne3A_809 = arith.cmpi ne, %rem3A_807, %ne3A_808 : i32
      %and3A_810 = arith.andi %ne3A_806, %ne3A_809 : i1
      %sub3A_811 = arith.constant 1 : i32
      %sub3A_812 = arith.subi %div3A_791, %sub3A_811 : i32
      %select_n3A_813 = arith.select %and3A_810, %sub3A_812, %div3A_791 : i32
      %jit3A_814 = arith.constant 7 : i32
      %eq3A_815 = arith.constant 0 : i32
      %eq3A_816 = arith.cmpi eq, %jit3A_814, %eq3A_815 : i32
      %jit3A_817 = arith.constant 1 : i32
      %select_n3A_818 = arith.select %eq3A_816, %jit3A_817, %jit3A_814 : i32
      %rem3A_819 = arith.remsi %add3A_728, %select_n3A_818 : i32
      %ne3A_820 = arith.constant 0 : i32
      %ne3A_821 = arith.cmpi ne, %rem3A_819, %ne3A_820 : i32
      %lt3A_822 = arith.constant 0 : i32
      %lt3A_823 = arith.cmpi slt, %rem3A_819, %lt3A_822 : i32
      %lt3A_824 = arith.constant 0 : i32
      %lt3A_825 = arith.cmpi slt, %select_n3A_818, %lt3A_824 : i32
      %ne3A_826 = arith.xori %lt3A_823, %lt3A_825 : i1
      %and3A_827 = arith.andi %ne3A_826, %ne3A_821 : i1
      %add3A_828 = arith.addi %rem3A_819, %select_n3A_818 : i32
      %select_n3A_829 = arith.select %and3A_827, %add3A_828, %rem3A_819 : i32
      %add3A_830 = arith.addi %multiple_of3A, %select_n3A_813 : i32
      %mul3A_831 = arith.constant 28 : i32
      %mul3A_832 = arith.muli %select_n3A_829, %mul3A_831 : i32
      %add3A_833 = arith.constant 10 : i32
      %add3A_834 = arith.addi %add3A_833, %mul3A_832 : i32
      %dma_start3A_835 = arith.constant 0 : i32
      %dma_start3A_836 = arith.constant 0 : i32
      %dma_start3A_837 = arith.constant 0 : i32
      %dma_start3A_838 = arith.constant 0 : i32
      %dma_start3A_839 = tpu.memref_slice %arg8[%dma_start3A_835, %dma_start3A_837, %dma_start3A_838] : memref<2x28x768xf32, #tpu.memory_space<vmem>> -> memref<1x28x768xf32, #tpu.memory_space<vmem>>
      %dma_start3A_840 = tpu.memref_squeeze %dma_start3A_839 : memref<1x28x768xf32, #tpu.memory_space<vmem>> -> memref<28x768xf32, #tpu.memory_space<vmem>>
      %dma_start3A_841 = arith.constant 0 : i32
      %dma_start3A_842 = tpu.memref_slice %arg5[%add3A_830, %add3A_834, %dma_start3A_841] : memref<256x206x768xf32, #tpu.memory_space<hbm>> -> memref<1x28x768xf32, #tpu.memory_space<hbm>>
      %dma_start3A_843 = tpu.memref_squeeze %dma_start3A_842 : memref<1x28x768xf32, #tpu.memory_space<hbm>> -> memref<28x768xf32, #tpu.memory_space<hbm>>
      %dma_start3A_844 = tpu.memref_slice %arg11[%dma_start3A_836] : memref<2x!tpu.dma_semaphore, #tpu.memory_space<semaphore_mem>> -> memref<1x!tpu.dma_semaphore, #tpu.memory_space<semaphore_mem>>
      %dma_start3A_845 = tpu.memref_squeeze %dma_start3A_844 : memref<1x!tpu.dma_semaphore, #tpu.memory_space<semaphore_mem>> -> memref<!tpu.dma_semaphore, #tpu.memory_space<semaphore_mem>>
      %dma_start3A_846 = arith.constant 0 : i32
      %dma_start3A_847 = tpu.memref_slice %arg5[%add3A_830, %add3A_834, %dma_start3A_846] : memref<256x206x768xf32, #tpu.memory_space<hbm>> -> memref<1x28x768xf32, #tpu.memory_space<hbm>>
      %dma_start3A_848 = tpu.memref_squeeze %dma_start3A_847 : memref<1x28x768xf32, #tpu.memory_space<hbm>> -> memref<28x768xf32, #tpu.memory_space<hbm>>
      %dma_start3A_849 = arith.constant 0 : i32
      %dma_start3A_850 = arith.constant 0 : i32
      %dma_start3A_851 = tpu.memref_slice %arg8[%dma_start3A_835, %dma_start3A_849, %dma_start3A_850] : memref<2x28x768xf32, #tpu.memory_space<vmem>> -> memref<1x28x768xf32, #tpu.memory_space<vmem>>
      %dma_start3A_852 = tpu.memref_squeeze %dma_start3A_851 : memref<1x28x768xf32, #tpu.memory_space<vmem>> -> memref<28x768xf32, #tpu.memory_space<vmem>>
      tpu.enqueue_dma source(%dma_start3A_852 : memref<28x768xf32, #tpu.memory_space<vmem>>) target(%dma_start3A_848 : memref<28x768xf32, #tpu.memory_space<hbm>>) target_semaphore(%dma_start3A_845 : memref<!tpu.dma_semaphore, #tpu.memory_space<semaphore_mem>>)
      %sub3A_853 = arith.constant 1 : i32
      %sub3A_854 = arith.subi %add3A_728, %sub3A_853 : i32
      %jit3A_855 = arith.constant 7 : i32
      %div3A_856 = arith.divsi %sub3A_854, %jit3A_855 : i32
      %sign3A_857 = arith.constant 0 : i32
      %sign3A_858 = arith.cmpi sgt, %sub3A_854, %sign3A_857 : i32
      %sign3A_859 = arith.extui %sign3A_858 : i1 to i32
      %sign3A_860 = arith.constant 0 : i32
      %sign3A_861 = arith.cmpi slt, %sub3A_854, %sign3A_860 : i32
      %sign3A_862 = arith.extui %sign3A_861 : i1 to i32
      %sign3A_863 = arith.subi %sign3A_859, %sign3A_862 : i32
      %sign3A_864 = arith.constant 0 : i32
      %sign3A_865 = arith.cmpi sgt, %jit3A_855, %sign3A_864 : i32
      %sign3A_866 = arith.extui %sign3A_865 : i1 to i32
      %sign3A_867 = arith.constant 0 : i32
      %sign3A_868 = arith.cmpi slt, %jit3A_855, %sign3A_867 : i32
      %sign3A_869 = arith.extui %sign3A_868 : i1 to i32
      %sign3A_870 = arith.subi %sign3A_866, %sign3A_869 : i32
      %ne3A_871 = arith.cmpi ne, %sign3A_863, %sign3A_870 : i32
      %rem3A_872 = arith.remsi %sub3A_854, %jit3A_855 : i32
      %ne3A_873 = arith.constant 0 : i32
      %ne3A_874 = arith.cmpi ne, %rem3A_872, %ne3A_873 : i32
      %and3A_875 = arith.andi %ne3A_871, %ne3A_874 : i1
      %sub3A_876 = arith.constant 1 : i32
      %sub3A_877 = arith.subi %div3A_856, %sub3A_876 : i32
      %select_n3A_878 = arith.select %and3A_875, %sub3A_877, %div3A_856 : i32
      %jit3A_879 = arith.constant 7 : i32
      %eq3A_880 = arith.constant 0 : i32
      %eq3A_881 = arith.cmpi eq, %jit3A_879, %eq3A_880 : i32
      %jit3A_882 = arith.constant 1 : i32
      %select_n3A_883 = arith.select %eq3A_881, %jit3A_882, %jit3A_879 : i32
      %rem3A_884 = arith.remsi %sub3A_854, %select_n3A_883 : i32
      %ne3A_885 = arith.constant 0 : i32
      %ne3A_886 = arith.cmpi ne, %rem3A_884, %ne3A_885 : i32
      %lt3A_887 = arith.constant 0 : i32
      %lt3A_888 = arith.cmpi slt, %rem3A_884, %lt3A_887 : i32
      %lt3A_889 = arith.constant 0 : i32
      %lt3A_890 = arith.cmpi slt, %select_n3A_883, %lt3A_889 : i32
      %ne3A_891 = arith.xori %lt3A_888, %lt3A_890 : i1
      %and3A_892 = arith.andi %ne3A_891, %ne3A_886 : i1
      %add3A_893 = arith.addi %rem3A_884, %select_n3A_883 : i32
      %select_n3A_894 = arith.select %and3A_892, %add3A_893, %rem3A_884 : i32
      %add3A_895 = arith.addi %multiple_of3A, %select_n3A_878 : i32
      %mul3A_896 = arith.constant 28 : i32
      %mul3A_897 = arith.muli %select_n3A_894, %mul3A_896 : i32
      %add3A_898 = arith.constant 10 : i32
      %add3A_899 = arith.addi %add3A_898, %mul3A_897 : i32
      %dma_wait3A_900 = arith.constant 1 : i32
      %dma_wait3A_901 = arith.constant 1 : i32
      %dma_wait3A_902 = arith.constant 0 : i32
      %dma_wait3A_903 = arith.constant 0 : i32
      %dma_wait3A_904 = tpu.memref_slice %arg8[%dma_wait3A_900, %dma_wait3A_902, %dma_wait3A_903] : memref<2x28x768xf32, #tpu.memory_space<vmem>> -> memref<1x28x768xf32, #tpu.memory_space<vmem>>
      %dma_wait3A_905 = tpu.memref_squeeze %dma_wait3A_904 : memref<1x28x768xf32, #tpu.memory_space<vmem>> -> memref<28x768xf32, #tpu.memory_space<vmem>>
      %dma_wait3A_906 = arith.constant 0 : i32
      %dma_wait3A_907 = tpu.memref_slice %arg5[%add3A_895, %add3A_899, %dma_wait3A_906] : memref<256x206x768xf32, #tpu.memory_space<hbm>> -> memref<1x28x768xf32, #tpu.memory_space<hbm>>
      %dma_wait3A_908 = tpu.memref_squeeze %dma_wait3A_907 : memref<1x28x768xf32, #tpu.memory_space<hbm>> -> memref<28x768xf32, #tpu.memory_space<hbm>>
      %dma_wait3A_909 = tpu.memref_slice %arg11[%dma_wait3A_901] : memref<2x!tpu.dma_semaphore, #tpu.memory_space<semaphore_mem>> -> memref<1x!tpu.dma_semaphore, #tpu.memory_space<semaphore_mem>>
      %dma_wait3A_910 = tpu.memref_squeeze %dma_wait3A_909 : memref<1x!tpu.dma_semaphore, #tpu.memory_space<semaphore_mem>> -> memref<!tpu.dma_semaphore, #tpu.memory_space<semaphore_mem>>
      %dma_wait3A_911 = arith.constant 0 : i32
      %dma_wait3A_912 = tpu.memref_slice %arg5[%add3A_895, %add3A_899, %dma_wait3A_911] : memref<256x206x768xf32, #tpu.memory_space<hbm>> -> memref<1x28x768xf32, #tpu.memory_space<hbm>>
      %dma_wait3A_913 = tpu.memref_squeeze %dma_wait3A_912 : memref<1x28x768xf32, #tpu.memory_space<hbm>> -> memref<28x768xf32, #tpu.memory_space<hbm>>
      %dma_wait3A_914 = arith.constant 0 : i32
      %dma_wait3A_915 = arith.constant 0 : i32
      %dma_wait3A_916 = tpu.memref_slice %arg8[%dma_wait3A_900, %dma_wait3A_914, %dma_wait3A_915] : memref<2x28x768xf32, #tpu.memory_space<vmem>> -> memref<1x28x768xf32, #tpu.memory_space<vmem>>
      %dma_wait3A_917 = tpu.memref_squeeze %dma_wait3A_916 : memref<1x28x768xf32, #tpu.memory_space<vmem>> -> memref<28x768xf32, #tpu.memory_space<vmem>>
      tpu.wait_dma2 semaphore(%dma_wait3A_910 : memref<!tpu.dma_semaphore, #tpu.memory_space<semaphore_mem>>) src(%dma_wait3A_917 : memref<28x768xf32, #tpu.memory_space<vmem>>) dst(%dma_wait3A_913 : memref<28x768xf32, #tpu.memory_space<hbm>>)
      %add3A_918 = arith.constant 1 : i32
      %add3A_919 = arith.addi %add3A_728, %add3A_918 : i32
      %jit3A_920 = arith.constant 7 : i32
      %div3A_921 = arith.divsi %add3A_919, %jit3A_920 : i32
      %sign3A_922 = arith.constant 0 : i32
      %sign3A_923 = arith.cmpi sgt, %add3A_919, %sign3A_922 : i32
      %sign3A_924 = arith.extui %sign3A_923 : i1 to i32
      %sign3A_925 = arith.constant 0 : i32
      %sign3A_926 = arith.cmpi slt, %add3A_919, %sign3A_925 : i32
      %sign3A_927 = arith.extui %sign3A_926 : i1 to i32
      %sign3A_928 = arith.subi %sign3A_924, %sign3A_927 : i32
      %sign3A_929 = arith.constant 0 : i32
      %sign3A_930 = arith.cmpi sgt, %jit3A_920, %sign3A_929 : i32
      %sign3A_931 = arith.extui %sign3A_930 : i1 to i32
      %sign3A_932 = arith.constant 0 : i32
      %sign3A_933 = arith.cmpi slt, %jit3A_920, %sign3A_932 : i32
      %sign3A_934 = arith.extui %sign3A_933 : i1 to i32
      %sign3A_935 = arith.subi %sign3A_931, %sign3A_934 : i32
      %ne3A_936 = arith.cmpi ne, %sign3A_928, %sign3A_935 : i32
      %rem3A_937 = arith.remsi %add3A_919, %jit3A_920 : i32
      %ne3A_938 = arith.constant 0 : i32
      %ne3A_939 = arith.cmpi ne, %rem3A_937, %ne3A_938 : i32
      %and3A_940 = arith.andi %ne3A_936, %ne3A_939 : i1
      %sub3A_941 = arith.constant 1 : i32
      %sub3A_942 = arith.subi %div3A_921, %sub3A_941 : i32
      %select_n3A_943 = arith.select %and3A_940, %sub3A_942, %div3A_921 : i32
      %jit3A_944 = arith.constant 7 : i32
      %eq3A_945 = arith.constant 0 : i32
      %eq3A_946 = arith.cmpi eq, %jit3A_944, %eq3A_945 : i32
      %jit3A_947 = arith.constant 1 : i32
      %select_n3A_948 = arith.select %eq3A_946, %jit3A_947, %jit3A_944 : i32
      %rem3A_949 = arith.remsi %add3A_919, %select_n3A_948 : i32
      %ne3A_950 = arith.constant 0 : i32
      %ne3A_951 = arith.cmpi ne, %rem3A_949, %ne3A_950 : i32
      %lt3A_952 = arith.constant 0 : i32
      %lt3A_953 = arith.cmpi slt, %rem3A_949, %lt3A_952 : i32
      %lt3A_954 = arith.constant 0 : i32
      %lt3A_955 = arith.cmpi slt, %select_n3A_948, %lt3A_954 : i32
      %ne3A_956 = arith.xori %lt3A_953, %lt3A_955 : i1
      %and3A_957 = arith.andi %ne3A_956, %ne3A_951 : i1
      %add3A_958 = arith.addi %rem3A_949, %select_n3A_948 : i32
      %select_n3A_959 = arith.select %and3A_957, %add3A_958, %rem3A_949 : i32
      %add3A_960 = arith.addi %multiple_of3A, %select_n3A_943 : i32
      %mul3A_961 = arith.constant 28 : i32
      %mul3A_962 = arith.muli %select_n3A_959, %mul3A_961 : i32
      %dma_start3A_963 = arith.constant 1 : i32
      %dma_start3A_964 = arith.constant 1 : i32
      %dma_start3A_965 = arith.constant 0 : i32
      %dma_start3A_966 = arith.constant 0 : i32
      %dma_start3A_967 = tpu.memref_slice %arg8[%dma_start3A_963, %dma_start3A_965, %dma_start3A_966] : memref<2x28x768xf32, #tpu.memory_space<vmem>> -> memref<1x28x768xf32, #tpu.memory_space<vmem>>
      %dma_start3A_968 = tpu.memref_squeeze %dma_start3A_967 : memref<1x28x768xf32, #tpu.memory_space<vmem>> -> memref<28x768xf32, #tpu.memory_space<vmem>>
      %dma_start3A_969 = arith.constant 0 : i32
      %dma_start3A_970 = tpu.memref_slice %arg2[%add3A_960, %mul3A_962, %dma_start3A_969] : memref<256x196x768xf32, #tpu.memory_space<hbm>> -> memref<1x28x768xf32, #tpu.memory_space<hbm>>
      %dma_start3A_971 = tpu.memref_squeeze %dma_start3A_970 : memref<1x28x768xf32, #tpu.memory_space<hbm>> -> memref<28x768xf32, #tpu.memory_space<hbm>>
      %dma_start3A_972 = tpu.memref_slice %arg10[%dma_start3A_964] : memref<2x!tpu.dma_semaphore, #tpu.memory_space<semaphore_mem>> -> memref<1x!tpu.dma_semaphore, #tpu.memory_space<semaphore_mem>>
      %dma_start3A_973 = tpu.memref_squeeze %dma_start3A_972 : memref<1x!tpu.dma_semaphore, #tpu.memory_space<semaphore_mem>> -> memref<!tpu.dma_semaphore, #tpu.memory_space<semaphore_mem>>
      %dma_start3A_974 = arith.constant 0 : i32
      %dma_start3A_975 = arith.constant 0 : i32
      %dma_start3A_976 = tpu.memref_slice %arg8[%dma_start3A_963, %dma_start3A_974, %dma_start3A_975] : memref<2x28x768xf32, #tpu.memory_space<vmem>> -> memref<1x28x768xf32, #tpu.memory_space<vmem>>
      %dma_start3A_977 = tpu.memref_squeeze %dma_start3A_976 : memref<1x28x768xf32, #tpu.memory_space<vmem>> -> memref<28x768xf32, #tpu.memory_space<vmem>>
      %dma_start3A_978 = arith.constant 0 : i32
      %dma_start3A_979 = tpu.memref_slice %arg2[%add3A_960, %mul3A_962, %dma_start3A_978] : memref<256x196x768xf32, #tpu.memory_space<hbm>> -> memref<1x28x768xf32, #tpu.memory_space<hbm>>
      %dma_start3A_980 = tpu.memref_squeeze %dma_start3A_979 : memref<1x28x768xf32, #tpu.memory_space<hbm>> -> memref<28x768xf32, #tpu.memory_space<hbm>>
      tpu.enqueue_dma source(%dma_start3A_980 : memref<28x768xf32, #tpu.memory_space<hbm>>) target(%dma_start3A_977 : memref<28x768xf32, #tpu.memory_space<vmem>>) target_semaphore(%dma_start3A_973 : memref<!tpu.dma_semaphore, #tpu.memory_space<semaphore_mem>>)
    }
    %scan3A_97 = arith.constant 27 : i32
    %add3A_98 = arith.constant 7 : i32
    %add3A_99 = arith.addi %multiple_of3A, %add3A_98 : i32
    %dma_wait3A_100 = arith.constant 1 : i32
    %dma_wait3A_101 = arith.constant 1 : i32
    %dma_wait3A_102 = arith.constant 0 : i32
    %dma_wait3A_103 = arith.constant 0 : i32
    %dma_wait3A_104 = tpu.memref_slice %arg8[%dma_wait3A_100, %dma_wait3A_102, %dma_wait3A_103] : memref<2x28x768xf32, #tpu.memory_space<vmem>> -> memref<1x28x768xf32, #tpu.memory_space<vmem>>
    %dma_wait3A_105 = tpu.memref_squeeze %dma_wait3A_104 : memref<1x28x768xf32, #tpu.memory_space<vmem>> -> memref<28x768xf32, #tpu.memory_space<vmem>>
    %dma_wait3A_106 = arith.constant 168 : i32
    %dma_wait3A_107 = arith.constant 0 : i32
    %dma_wait3A_108 = tpu.memref_slice %arg2[%add3A_99, %dma_wait3A_106, %dma_wait3A_107] : memref<256x196x768xf32, #tpu.memory_space<hbm>> -> memref<1x28x768xf32, #tpu.memory_space<hbm>>
    %dma_wait3A_109 = tpu.memref_squeeze %dma_wait3A_108 : memref<1x28x768xf32, #tpu.memory_space<hbm>> -> memref<28x768xf32, #tpu.memory_space<hbm>>
    %dma_wait3A_110 = tpu.memref_slice %arg10[%dma_wait3A_101] : memref<2x!tpu.dma_semaphore, #tpu.memory_space<semaphore_mem>> -> memref<1x!tpu.dma_semaphore, #tpu.memory_space<semaphore_mem>>
    %dma_wait3A_111 = tpu.memref_squeeze %dma_wait3A_110 : memref<1x!tpu.dma_semaphore, #tpu.memory_space<semaphore_mem>> -> memref<!tpu.dma_semaphore, #tpu.memory_space<semaphore_mem>>
    %dma_wait3A_112 = arith.constant 0 : i32
    %dma_wait3A_113 = arith.constant 0 : i32
    %dma_wait3A_114 = tpu.memref_slice %arg8[%dma_wait3A_100, %dma_wait3A_112, %dma_wait3A_113] : memref<2x28x768xf32, #tpu.memory_space<vmem>> -> memref<1x28x768xf32, #tpu.memory_space<vmem>>
    %dma_wait3A_115 = tpu.memref_squeeze %dma_wait3A_114 : memref<1x28x768xf32, #tpu.memory_space<vmem>> -> memref<28x768xf32, #tpu.memory_space<vmem>>
    %dma_wait3A_116 = arith.constant 168 : i32
    %dma_wait3A_117 = arith.constant 0 : i32
    %dma_wait3A_118 = tpu.memref_slice %arg2[%add3A_99, %dma_wait3A_116, %dma_wait3A_117] : memref<256x196x768xf32, #tpu.memory_space<hbm>> -> memref<1x28x768xf32, #tpu.memory_space<hbm>>
    %dma_wait3A_119 = tpu.memref_squeeze %dma_wait3A_118 : memref<1x28x768xf32, #tpu.memory_space<hbm>> -> memref<28x768xf32, #tpu.memory_space<hbm>>
    tpu.wait_dma2 semaphore(%dma_wait3A_111 : memref<!tpu.dma_semaphore, #tpu.memory_space<semaphore_mem>>) src(%dma_wait3A_119 : memref<28x768xf32, #tpu.memory_space<hbm>>) dst(%dma_wait3A_115 : memref<28x768xf32, #tpu.memory_space<vmem>>)
    %add3A_120 = arith.constant 7 : i32
    %add3A_121 = arith.addi %multiple_of3A, %add3A_120 : i32
    %dma_start3A_122 = arith.constant 1 : i32
    %dma_start3A_123 = arith.constant 1 : i32
    %dma_start3A_124 = arith.constant 0 : i32
    %dma_start3A_125 = arith.constant 0 : i32
    %dma_start3A_126 = tpu.memref_slice %arg8[%dma_start3A_122, %dma_start3A_124, %dma_start3A_125] : memref<2x28x768xf32, #tpu.memory_space<vmem>> -> memref<1x28x768xf32, #tpu.memory_space<vmem>>
    %dma_start3A_127 = tpu.memref_squeeze %dma_start3A_126 : memref<1x28x768xf32, #tpu.memory_space<vmem>> -> memref<28x768xf32, #tpu.memory_space<vmem>>
    %dma_start3A_128 = arith.constant 178 : i32
    %dma_start3A_129 = arith.constant 0 : i32
    %dma_start3A_130 = tpu.memref_slice %arg5[%add3A_121, %dma_start3A_128, %dma_start3A_129] : memref<256x206x768xf32, #tpu.memory_space<hbm>> -> memref<1x28x768xf32, #tpu.memory_space<hbm>>
    %dma_start3A_131 = tpu.memref_squeeze %dma_start3A_130 : memref<1x28x768xf32, #tpu.memory_space<hbm>> -> memref<28x768xf32, #tpu.memory_space<hbm>>
    %dma_start3A_132 = tpu.memref_slice %arg11[%dma_start3A_123] : memref<2x!tpu.dma_semaphore, #tpu.memory_space<semaphore_mem>> -> memref<1x!tpu.dma_semaphore, #tpu.memory_space<semaphore_mem>>
    %dma_start3A_133 = tpu.memref_squeeze %dma_start3A_132 : memref<1x!tpu.dma_semaphore, #tpu.memory_space<semaphore_mem>> -> memref<!tpu.dma_semaphore, #tpu.memory_space<semaphore_mem>>
    %dma_start3A_134 = arith.constant 178 : i32
    %dma_start3A_135 = arith.constant 0 : i32
    %dma_start3A_136 = tpu.memref_slice %arg5[%add3A_121, %dma_start3A_134, %dma_start3A_135] : memref<256x206x768xf32, #tpu.memory_space<hbm>> -> memref<1x28x768xf32, #tpu.memory_space<hbm>>
    %dma_start3A_137 = tpu.memref_squeeze %dma_start3A_136 : memref<1x28x768xf32, #tpu.memory_space<hbm>> -> memref<28x768xf32, #tpu.memory_space<hbm>>
    %dma_start3A_138 = arith.constant 0 : i32
    %dma_start3A_139 = arith.constant 0 : i32
    %dma_start3A_140 = tpu.memref_slice %arg8[%dma_start3A_122, %dma_start3A_138, %dma_start3A_139] : memref<2x28x768xf32, #tpu.memory_space<vmem>> -> memref<1x28x768xf32, #tpu.memory_space<vmem>>
    %dma_start3A_141 = tpu.memref_squeeze %dma_start3A_140 : memref<1x28x768xf32, #tpu.memory_space<vmem>> -> memref<28x768xf32, #tpu.memory_space<vmem>>
    tpu.enqueue_dma source(%dma_start3A_141 : memref<28x768xf32, #tpu.memory_space<vmem>>) target(%dma_start3A_137 : memref<28x768xf32, #tpu.memory_space<hbm>>) target_semaphore(%dma_start3A_133 : memref<!tpu.dma_semaphore, #tpu.memory_space<semaphore_mem>>)
    %add3A_142 = arith.constant 7 : i32
    %add3A_143 = arith.addi %multiple_of3A, %add3A_142 : i32
    %dma_wait3A_144 = arith.constant 0 : i32
    %dma_wait3A_145 = arith.constant 0 : i32
    %dma_wait3A_146 = arith.constant 0 : i32
    %dma_wait3A_147 = arith.constant 0 : i32
    %dma_wait3A_148 = tpu.memref_slice %arg8[%dma_wait3A_144, %dma_wait3A_146, %dma_wait3A_147] : memref<2x28x768xf32, #tpu.memory_space<vmem>> -> memref<1x28x768xf32, #tpu.memory_space<vmem>>
    %dma_wait3A_149 = tpu.memref_squeeze %dma_wait3A_148 : memref<1x28x768xf32, #tpu.memory_space<vmem>> -> memref<28x768xf32, #tpu.memory_space<vmem>>
    %dma_wait3A_150 = arith.constant 150 : i32
    %dma_wait3A_151 = arith.constant 0 : i32
    %dma_wait3A_152 = tpu.memref_slice %arg5[%add3A_143, %dma_wait3A_150, %dma_wait3A_151] : memref<256x206x768xf32, #tpu.memory_space<hbm>> -> memref<1x28x768xf32, #tpu.memory_space<hbm>>
    %dma_wait3A_153 = tpu.memref_squeeze %dma_wait3A_152 : memref<1x28x768xf32, #tpu.memory_space<hbm>> -> memref<28x768xf32, #tpu.memory_space<hbm>>
    %dma_wait3A_154 = tpu.memref_slice %arg11[%dma_wait3A_145] : memref<2x!tpu.dma_semaphore, #tpu.memory_space<semaphore_mem>> -> memref<1x!tpu.dma_semaphore, #tpu.memory_space<semaphore_mem>>
    %dma_wait3A_155 = tpu.memref_squeeze %dma_wait3A_154 : memref<1x!tpu.dma_semaphore, #tpu.memory_space<semaphore_mem>> -> memref<!tpu.dma_semaphore, #tpu.memory_space<semaphore_mem>>
    %dma_wait3A_156 = arith.constant 150 : i32
    %dma_wait3A_157 = arith.constant 0 : i32
    %dma_wait3A_158 = tpu.memref_slice %arg5[%add3A_143, %dma_wait3A_156, %dma_wait3A_157] : memref<256x206x768xf32, #tpu.memory_space<hbm>> -> memref<1x28x768xf32, #tpu.memory_space<hbm>>
    %dma_wait3A_159 = tpu.memref_squeeze %dma_wait3A_158 : memref<1x28x768xf32, #tpu.memory_space<hbm>> -> memref<28x768xf32, #tpu.memory_space<hbm>>
    %dma_wait3A_160 = arith.constant 0 : i32
    %dma_wait3A_161 = arith.constant 0 : i32
    %dma_wait3A_162 = tpu.memref_slice %arg8[%dma_wait3A_144, %dma_wait3A_160, %dma_wait3A_161] : memref<2x28x768xf32, #tpu.memory_space<vmem>> -> memref<1x28x768xf32, #tpu.memory_space<vmem>>
    %dma_wait3A_163 = tpu.memref_squeeze %dma_wait3A_162 : memref<1x28x768xf32, #tpu.memory_space<vmem>> -> memref<28x768xf32, #tpu.memory_space<vmem>>
    tpu.wait_dma2 semaphore(%dma_wait3A_155 : memref<!tpu.dma_semaphore, #tpu.memory_space<semaphore_mem>>) src(%dma_wait3A_163 : memref<28x768xf32, #tpu.memory_space<vmem>>) dst(%dma_wait3A_159 : memref<28x768xf32, #tpu.memory_space<hbm>>)
    %add3A_164 = arith.constant 7 : i32
    %add3A_165 = arith.addi %multiple_of3A, %add3A_164 : i32
    %dma_wait3A_166 = arith.constant 1 : i32
    %dma_wait3A_167 = arith.constant 1 : i32
    %dma_wait3A_168 = arith.constant 0 : i32
    %dma_wait3A_169 = arith.constant 0 : i32
    %dma_wait3A_170 = tpu.memref_slice %arg8[%dma_wait3A_166, %dma_wait3A_168, %dma_wait3A_169] : memref<2x28x768xf32, #tpu.memory_space<vmem>> -> memref<1x28x768xf32, #tpu.memory_space<vmem>>
    %dma_wait3A_171 = tpu.memref_squeeze %dma_wait3A_170 : memref<1x28x768xf32, #tpu.memory_space<vmem>> -> memref<28x768xf32, #tpu.memory_space<vmem>>
    %dma_wait3A_172 = arith.constant 178 : i32
    %dma_wait3A_173 = arith.constant 0 : i32
    %dma_wait3A_174 = tpu.memref_slice %arg5[%add3A_165, %dma_wait3A_172, %dma_wait3A_173] : memref<256x206x768xf32, #tpu.memory_space<hbm>> -> memref<1x28x768xf32, #tpu.memory_space<hbm>>
    %dma_wait3A_175 = tpu.memref_squeeze %dma_wait3A_174 : memref<1x28x768xf32, #tpu.memory_space<hbm>> -> memref<28x768xf32, #tpu.memory_space<hbm>>
    %dma_wait3A_176 = tpu.memref_slice %arg11[%dma_wait3A_167] : memref<2x!tpu.dma_semaphore, #tpu.memory_space<semaphore_mem>> -> memref<1x!tpu.dma_semaphore, #tpu.memory_space<semaphore_mem>>
    %dma_wait3A_177 = tpu.memref_squeeze %dma_wait3A_176 : memref<1x!tpu.dma_semaphore, #tpu.memory_space<semaphore_mem>> -> memref<!tpu.dma_semaphore, #tpu.memory_space<semaphore_mem>>
    %dma_wait3A_178 = arith.constant 178 : i32
    %dma_wait3A_179 = arith.constant 0 : i32
    %dma_wait3A_180 = tpu.memref_slice %arg5[%add3A_165, %dma_wait3A_178, %dma_wait3A_179] : memref<256x206x768xf32, #tpu.memory_space<hbm>> -> memref<1x28x768xf32, #tpu.memory_space<hbm>>
    %dma_wait3A_181 = tpu.memref_squeeze %dma_wait3A_180 : memref<1x28x768xf32, #tpu.memory_space<hbm>> -> memref<28x768xf32, #tpu.memory_space<hbm>>
    %dma_wait3A_182 = arith.constant 0 : i32
    %dma_wait3A_183 = arith.constant 0 : i32
    %dma_wait3A_184 = tpu.memref_slice %arg8[%dma_wait3A_166, %dma_wait3A_182, %dma_wait3A_183] : memref<2x28x768xf32, #tpu.memory_space<vmem>> -> memref<1x28x768xf32, #tpu.memory_space<vmem>>
    %dma_wait3A_185 = tpu.memref_squeeze %dma_wait3A_184 : memref<1x28x768xf32, #tpu.memory_space<vmem>> -> memref<28x768xf32, #tpu.memory_space<vmem>>
    tpu.wait_dma2 semaphore(%dma_wait3A_177 : memref<!tpu.dma_semaphore, #tpu.memory_space<semaphore_mem>>) src(%dma_wait3A_185 : memref<28x768xf32, #tpu.memory_space<vmem>>) dst(%dma_wait3A_181 : memref<28x768xf32, #tpu.memory_space<hbm>>)
    %dma_wait3A_186 = arith.constant 0 : i32
    %dma_wait3A_187 = arith.constant 0 : i32
    %dma_wait3A_188 = arith.constant 0 : i32
    %dma_wait3A_189 = tpu.memref_slice %arg3[%dma_wait3A_186, %dma_wait3A_187, %dma_wait3A_188] : memref<10x10x768xf32, #tpu.memory_space<hbm>> -> memref<10x10x768xf32, #tpu.memory_space<hbm>>
    tpu.wait_indirect_dma semaphore(%arg9 : memref<!tpu.dma_semaphore, #tpu.memory_space<semaphore_mem>>) src(%dma_wait3A_189 : memref<10x10x768xf32, #tpu.memory_space<hbm>>) dst(%arg7 : memref<8x10x768xf32, #tpu.memory_space<vmem>>)
    %add3A_190 = arith.constant 0 : i32
    %add3A_191 = arith.addi %multiple_of3A, %add3A_190 : i32
    %add3A_192 = arith.constant 1 : i32
    %add3A_193 = arith.addi %multiple_of3A, %add3A_192 : i32
    %add3A_194 = arith.constant 2 : i32
    %add3A_195 = arith.addi %multiple_of3A, %add3A_194 : i32
    %add3A_196 = arith.constant 3 : i32
    %add3A_197 = arith.addi %multiple_of3A, %add3A_196 : i32
    %add3A_198 = arith.constant 4 : i32
    %add3A_199 = arith.addi %multiple_of3A, %add3A_198 : i32
    %add3A_200 = arith.constant 5 : i32
    %add3A_201 = arith.addi %multiple_of3A, %add3A_200 : i32
    %add3A_202 = arith.constant 6 : i32
    %add3A_203 = arith.addi %multiple_of3A, %add3A_202 : i32
    %add3A_204 = arith.constant 7 : i32
    %add3A_205 = arith.addi %multiple_of3A, %add3A_204 : i32
    %dma_start3A_206 = arith.constant 0 : i32
    %dma_start3A_207 = arith.constant 0 : i32
    %dma_start3A_208 = arith.constant 0 : i32
    %dma_start3A_209 = tpu.memref_slice %arg7[%dma_start3A_206, %dma_start3A_207, %dma_start3A_208] : memref<8x10x768xf32, #tpu.memory_space<vmem>> -> memref<1x10x768xf32, #tpu.memory_space<vmem>>
    %dma_start3A_210 = tpu.memref_squeeze %dma_start3A_209 : memref<1x10x768xf32, #tpu.memory_space<vmem>> -> memref<10x768xf32, #tpu.memory_space<vmem>>
    %dma_start3A_211 = arith.constant 0 : i32
    %dma_start3A_212 = arith.constant 0 : i32
    %dma_start3A_213 = tpu.memref_slice %arg5[%add3A_191, %dma_start3A_211, %dma_start3A_212] : memref<256x206x768xf32, #tpu.memory_space<hbm>> -> memref<1x10x768xf32, #tpu.memory_space<hbm>>
    %dma_start3A_214 = tpu.memref_squeeze %dma_start3A_213 : memref<1x10x768xf32, #tpu.memory_space<hbm>> -> memref<10x768xf32, #tpu.memory_space<hbm>>
    %dma_start3A_215 = arith.constant 0 : i32
    %dma_start3A_216 = arith.constant 0 : i32
    %dma_start3A_217 = tpu.memref_slice %arg5[%add3A_191, %dma_start3A_215, %dma_start3A_216] : memref<256x206x768xf32, #tpu.memory_space<hbm>> -> memref<1x10x768xf32, #tpu.memory_space<hbm>>
    %dma_start3A_218 = tpu.memref_squeeze %dma_start3A_217 : memref<1x10x768xf32, #tpu.memory_space<hbm>> -> memref<10x768xf32, #tpu.memory_space<hbm>>
    %dma_start3A_219 = arith.constant 0 : i32
    %dma_start3A_220 = arith.constant 0 : i32
    %dma_start3A_221 = tpu.memref_slice %arg7[%dma_start3A_206, %dma_start3A_219, %dma_start3A_220] : memref<8x10x768xf32, #tpu.memory_space<vmem>> -> memref<1x10x768xf32, #tpu.memory_space<vmem>>
    %dma_start3A_222 = tpu.memref_squeeze %dma_start3A_221 : memref<1x10x768xf32, #tpu.memory_space<vmem>> -> memref<10x768xf32, #tpu.memory_space<vmem>>
    tpu.enqueue_dma source(%dma_start3A_222 : memref<10x768xf32, #tpu.memory_space<vmem>>) target(%dma_start3A_218 : memref<10x768xf32, #tpu.memory_space<hbm>>) target_semaphore(%arg12 : memref<!tpu.dma_semaphore, #tpu.memory_space<semaphore_mem>>)
    %dma_start3A_223 = arith.constant 1 : i32
    %dma_start3A_224 = arith.constant 0 : i32
    %dma_start3A_225 = arith.constant 0 : i32
    %dma_start3A_226 = tpu.memref_slice %arg7[%dma_start3A_223, %dma_start3A_224, %dma_start3A_225] : memref<8x10x768xf32, #tpu.memory_space<vmem>> -> memref<1x10x768xf32, #tpu.memory_space<vmem>>
    %dma_start3A_227 = tpu.memref_squeeze %dma_start3A_226 : memref<1x10x768xf32, #tpu.memory_space<vmem>> -> memref<10x768xf32, #tpu.memory_space<vmem>>
    %dma_start3A_228 = arith.constant 0 : i32
    %dma_start3A_229 = arith.constant 0 : i32
    %dma_start3A_230 = tpu.memref_slice %arg5[%add3A_193, %dma_start3A_228, %dma_start3A_229] : memref<256x206x768xf32, #tpu.memory_space<hbm>> -> memref<1x10x768xf32, #tpu.memory_space<hbm>>
    %dma_start3A_231 = tpu.memref_squeeze %dma_start3A_230 : memref<1x10x768xf32, #tpu.memory_space<hbm>> -> memref<10x768xf32, #tpu.memory_space<hbm>>
    %dma_start3A_232 = arith.constant 0 : i32
    %dma_start3A_233 = arith.constant 0 : i32
    %dma_start3A_234 = tpu.memref_slice %arg5[%add3A_193, %dma_start3A_232, %dma_start3A_233] : memref<256x206x768xf32, #tpu.memory_space<hbm>> -> memref<1x10x768xf32, #tpu.memory_space<hbm>>
    %dma_start3A_235 = tpu.memref_squeeze %dma_start3A_234 : memref<1x10x768xf32, #tpu.memory_space<hbm>> -> memref<10x768xf32, #tpu.memory_space<hbm>>
    %dma_start3A_236 = arith.constant 0 : i32
    %dma_start3A_237 = arith.constant 0 : i32
    %dma_start3A_238 = tpu.memref_slice %arg7[%dma_start3A_223, %dma_start3A_236, %dma_start3A_237] : memref<8x10x768xf32, #tpu.memory_space<vmem>> -> memref<1x10x768xf32, #tpu.memory_space<vmem>>
    %dma_start3A_239 = tpu.memref_squeeze %dma_start3A_238 : memref<1x10x768xf32, #tpu.memory_space<vmem>> -> memref<10x768xf32, #tpu.memory_space<vmem>>
    tpu.enqueue_dma source(%dma_start3A_239 : memref<10x768xf32, #tpu.memory_space<vmem>>) target(%dma_start3A_235 : memref<10x768xf32, #tpu.memory_space<hbm>>) target_semaphore(%arg12 : memref<!tpu.dma_semaphore, #tpu.memory_space<semaphore_mem>>)
    %dma_start3A_240 = arith.constant 2 : i32
    %dma_start3A_241 = arith.constant 0 : i32
    %dma_start3A_242 = arith.constant 0 : i32
    %dma_start3A_243 = tpu.memref_slice %arg7[%dma_start3A_240, %dma_start3A_241, %dma_start3A_242] : memref<8x10x768xf32, #tpu.memory_space<vmem>> -> memref<1x10x768xf32, #tpu.memory_space<vmem>>
    %dma_start3A_244 = tpu.memref_squeeze %dma_start3A_243 : memref<1x10x768xf32, #tpu.memory_space<vmem>> -> memref<10x768xf32, #tpu.memory_space<vmem>>
    %dma_start3A_245 = arith.constant 0 : i32
    %dma_start3A_246 = arith.constant 0 : i32
    %dma_start3A_247 = tpu.memref_slice %arg5[%add3A_195, %dma_start3A_245, %dma_start3A_246] : memref<256x206x768xf32, #tpu.memory_space<hbm>> -> memref<1x10x768xf32, #tpu.memory_space<hbm>>
    %dma_start3A_248 = tpu.memref_squeeze %dma_start3A_247 : memref<1x10x768xf32, #tpu.memory_space<hbm>> -> memref<10x768xf32, #tpu.memory_space<hbm>>
    %dma_start3A_249 = arith.constant 0 : i32
    %dma_start3A_250 = arith.constant 0 : i32
    %dma_start3A_251 = tpu.memref_slice %arg5[%add3A_195, %dma_start3A_249, %dma_start3A_250] : memref<256x206x768xf32, #tpu.memory_space<hbm>> -> memref<1x10x768xf32, #tpu.memory_space<hbm>>
    %dma_start3A_252 = tpu.memref_squeeze %dma_start3A_251 : memref<1x10x768xf32, #tpu.memory_space<hbm>> -> memref<10x768xf32, #tpu.memory_space<hbm>>
    %dma_start3A_253 = arith.constant 0 : i32
    %dma_start3A_254 = arith.constant 0 : i32
    %dma_start3A_255 = tpu.memref_slice %arg7[%dma_start3A_240, %dma_start3A_253, %dma_start3A_254] : memref<8x10x768xf32, #tpu.memory_space<vmem>> -> memref<1x10x768xf32, #tpu.memory_space<vmem>>
    %dma_start3A_256 = tpu.memref_squeeze %dma_start3A_255 : memref<1x10x768xf32, #tpu.memory_space<vmem>> -> memref<10x768xf32, #tpu.memory_space<vmem>>
    tpu.enqueue_dma source(%dma_start3A_256 : memref<10x768xf32, #tpu.memory_space<vmem>>) target(%dma_start3A_252 : memref<10x768xf32, #tpu.memory_space<hbm>>) target_semaphore(%arg12 : memref<!tpu.dma_semaphore, #tpu.memory_space<semaphore_mem>>)
    %dma_start3A_257 = arith.constant 3 : i32
    %dma_start3A_258 = arith.constant 0 : i32
    %dma_start3A_259 = arith.constant 0 : i32
    %dma_start3A_260 = tpu.memref_slice %arg7[%dma_start3A_257, %dma_start3A_258, %dma_start3A_259] : memref<8x10x768xf32, #tpu.memory_space<vmem>> -> memref<1x10x768xf32, #tpu.memory_space<vmem>>
    %dma_start3A_261 = tpu.memref_squeeze %dma_start3A_260 : memref<1x10x768xf32, #tpu.memory_space<vmem>> -> memref<10x768xf32, #tpu.memory_space<vmem>>
    %dma_start3A_262 = arith.constant 0 : i32
    %dma_start3A_263 = arith.constant 0 : i32
    %dma_start3A_264 = tpu.memref_slice %arg5[%add3A_197, %dma_start3A_262, %dma_start3A_263] : memref<256x206x768xf32, #tpu.memory_space<hbm>> -> memref<1x10x768xf32, #tpu.memory_space<hbm>>
    %dma_start3A_265 = tpu.memref_squeeze %dma_start3A_264 : memref<1x10x768xf32, #tpu.memory_space<hbm>> -> memref<10x768xf32, #tpu.memory_space<hbm>>
    %dma_start3A_266 = arith.constant 0 : i32
    %dma_start3A_267 = arith.constant 0 : i32
    %dma_start3A_268 = tpu.memref_slice %arg5[%add3A_197, %dma_start3A_266, %dma_start3A_267] : memref<256x206x768xf32, #tpu.memory_space<hbm>> -> memref<1x10x768xf32, #tpu.memory_space<hbm>>
    %dma_start3A_269 = tpu.memref_squeeze %dma_start3A_268 : memref<1x10x768xf32, #tpu.memory_space<hbm>> -> memref<10x768xf32, #tpu.memory_space<hbm>>
    %dma_start3A_270 = arith.constant 0 : i32
    %dma_start3A_271 = arith.constant 0 : i32
    %dma_start3A_272 = tpu.memref_slice %arg7[%dma_start3A_257, %dma_start3A_270, %dma_start3A_271] : memref<8x10x768xf32, #tpu.memory_space<vmem>> -> memref<1x10x768xf32, #tpu.memory_space<vmem>>
    %dma_start3A_273 = tpu.memref_squeeze %dma_start3A_272 : memref<1x10x768xf32, #tpu.memory_space<vmem>> -> memref<10x768xf32, #tpu.memory_space<vmem>>
    tpu.enqueue_dma source(%dma_start3A_273 : memref<10x768xf32, #tpu.memory_space<vmem>>) target(%dma_start3A_269 : memref<10x768xf32, #tpu.memory_space<hbm>>) target_semaphore(%arg12 : memref<!tpu.dma_semaphore, #tpu.memory_space<semaphore_mem>>)
    %dma_start3A_274 = arith.constant 4 : i32
    %dma_start3A_275 = arith.constant 0 : i32
    %dma_start3A_276 = arith.constant 0 : i32
    %dma_start3A_277 = tpu.memref_slice %arg7[%dma_start3A_274, %dma_start3A_275, %dma_start3A_276] : memref<8x10x768xf32, #tpu.memory_space<vmem>> -> memref<1x10x768xf32, #tpu.memory_space<vmem>>
    %dma_start3A_278 = tpu.memref_squeeze %dma_start3A_277 : memref<1x10x768xf32, #tpu.memory_space<vmem>> -> memref<10x768xf32, #tpu.memory_space<vmem>>
    %dma_start3A_279 = arith.constant 0 : i32
    %dma_start3A_280 = arith.constant 0 : i32
    %dma_start3A_281 = tpu.memref_slice %arg5[%add3A_199, %dma_start3A_279, %dma_start3A_280] : memref<256x206x768xf32, #tpu.memory_space<hbm>> -> memref<1x10x768xf32, #tpu.memory_space<hbm>>
    %dma_start3A_282 = tpu.memref_squeeze %dma_start3A_281 : memref<1x10x768xf32, #tpu.memory_space<hbm>> -> memref<10x768xf32, #tpu.memory_space<hbm>>
    %dma_start3A_283 = arith.constant 0 : i32
    %dma_start3A_284 = arith.constant 0 : i32
    %dma_start3A_285 = tpu.memref_slice %arg5[%add3A_199, %dma_start3A_283, %dma_start3A_284] : memref<256x206x768xf32, #tpu.memory_space<hbm>> -> memref<1x10x768xf32, #tpu.memory_space<hbm>>
    %dma_start3A_286 = tpu.memref_squeeze %dma_start3A_285 : memref<1x10x768xf32, #tpu.memory_space<hbm>> -> memref<10x768xf32, #tpu.memory_space<hbm>>
    %dma_start3A_287 = arith.constant 0 : i32
    %dma_start3A_288 = arith.constant 0 : i32
    %dma_start3A_289 = tpu.memref_slice %arg7[%dma_start3A_274, %dma_start3A_287, %dma_start3A_288] : memref<8x10x768xf32, #tpu.memory_space<vmem>> -> memref<1x10x768xf32, #tpu.memory_space<vmem>>
    %dma_start3A_290 = tpu.memref_squeeze %dma_start3A_289 : memref<1x10x768xf32, #tpu.memory_space<vmem>> -> memref<10x768xf32, #tpu.memory_space<vmem>>
    tpu.enqueue_dma source(%dma_start3A_290 : memref<10x768xf32, #tpu.memory_space<vmem>>) target(%dma_start3A_286 : memref<10x768xf32, #tpu.memory_space<hbm>>) target_semaphore(%arg12 : memref<!tpu.dma_semaphore, #tpu.memory_space<semaphore_mem>>)
    %dma_start3A_291 = arith.constant 5 : i32
    %dma_start3A_292 = arith.constant 0 : i32
    %dma_start3A_293 = arith.constant 0 : i32
    %dma_start3A_294 = tpu.memref_slice %arg7[%dma_start3A_291, %dma_start3A_292, %dma_start3A_293] : memref<8x10x768xf32, #tpu.memory_space<vmem>> -> memref<1x10x768xf32, #tpu.memory_space<vmem>>
    %dma_start3A_295 = tpu.memref_squeeze %dma_start3A_294 : memref<1x10x768xf32, #tpu.memory_space<vmem>> -> memref<10x768xf32, #tpu.memory_space<vmem>>
    %dma_start3A_296 = arith.constant 0 : i32
    %dma_start3A_297 = arith.constant 0 : i32
    %dma_start3A_298 = tpu.memref_slice %arg5[%add3A_201, %dma_start3A_296, %dma_start3A_297] : memref<256x206x768xf32, #tpu.memory_space<hbm>> -> memref<1x10x768xf32, #tpu.memory_space<hbm>>
    %dma_start3A_299 = tpu.memref_squeeze %dma_start3A_298 : memref<1x10x768xf32, #tpu.memory_space<hbm>> -> memref<10x768xf32, #tpu.memory_space<hbm>>
    %dma_start3A_300 = arith.constant 0 : i32
    %dma_start3A_301 = arith.constant 0 : i32
    %dma_start3A_302 = tpu.memref_slice %arg5[%add3A_201, %dma_start3A_300, %dma_start3A_301] : memref<256x206x768xf32, #tpu.memory_space<hbm>> -> memref<1x10x768xf32, #tpu.memory_space<hbm>>
    %dma_start3A_303 = tpu.memref_squeeze %dma_start3A_302 : memref<1x10x768xf32, #tpu.memory_space<hbm>> -> memref<10x768xf32, #tpu.memory_space<hbm>>
    %dma_start3A_304 = arith.constant 0 : i32
    %dma_start3A_305 = arith.constant 0 : i32
    %dma_start3A_306 = tpu.memref_slice %arg7[%dma_start3A_291, %dma_start3A_304, %dma_start3A_305] : memref<8x10x768xf32, #tpu.memory_space<vmem>> -> memref<1x10x768xf32, #tpu.memory_space<vmem>>
    %dma_start3A_307 = tpu.memref_squeeze %dma_start3A_306 : memref<1x10x768xf32, #tpu.memory_space<vmem>> -> memref<10x768xf32, #tpu.memory_space<vmem>>
    tpu.enqueue_dma source(%dma_start3A_307 : memref<10x768xf32, #tpu.memory_space<vmem>>) target(%dma_start3A_303 : memref<10x768xf32, #tpu.memory_space<hbm>>) target_semaphore(%arg12 : memref<!tpu.dma_semaphore, #tpu.memory_space<semaphore_mem>>)
    %dma_start3A_308 = arith.constant 6 : i32
    %dma_start3A_309 = arith.constant 0 : i32
    %dma_start3A_310 = arith.constant 0 : i32
    %dma_start3A_311 = tpu.memref_slice %arg7[%dma_start3A_308, %dma_start3A_309, %dma_start3A_310] : memref<8x10x768xf32, #tpu.memory_space<vmem>> -> memref<1x10x768xf32, #tpu.memory_space<vmem>>
    %dma_start3A_312 = tpu.memref_squeeze %dma_start3A_311 : memref<1x10x768xf32, #tpu.memory_space<vmem>> -> memref<10x768xf32, #tpu.memory_space<vmem>>
    %dma_start3A_313 = arith.constant 0 : i32
    %dma_start3A_314 = arith.constant 0 : i32
    %dma_start3A_315 = tpu.memref_slice %arg5[%add3A_203, %dma_start3A_313, %dma_start3A_314] : memref<256x206x768xf32, #tpu.memory_space<hbm>> -> memref<1x10x768xf32, #tpu.memory_space<hbm>>
    %dma_start3A_316 = tpu.memref_squeeze %dma_start3A_315 : memref<1x10x768xf32, #tpu.memory_space<hbm>> -> memref<10x768xf32, #tpu.memory_space<hbm>>
    %dma_start3A_317 = arith.constant 0 : i32
    %dma_start3A_318 = arith.constant 0 : i32
    %dma_start3A_319 = tpu.memref_slice %arg5[%add3A_203, %dma_start3A_317, %dma_start3A_318] : memref<256x206x768xf32, #tpu.memory_space<hbm>> -> memref<1x10x768xf32, #tpu.memory_space<hbm>>
    %dma_start3A_320 = tpu.memref_squeeze %dma_start3A_319 : memref<1x10x768xf32, #tpu.memory_space<hbm>> -> memref<10x768xf32, #tpu.memory_space<hbm>>
    %dma_start3A_321 = arith.constant 0 : i32
    %dma_start3A_322 = arith.constant 0 : i32
    %dma_start3A_323 = tpu.memref_slice %arg7[%dma_start3A_308, %dma_start3A_321, %dma_start3A_322] : memref<8x10x768xf32, #tpu.memory_space<vmem>> -> memref<1x10x768xf32, #tpu.memory_space<vmem>>
    %dma_start3A_324 = tpu.memref_squeeze %dma_start3A_323 : memref<1x10x768xf32, #tpu.memory_space<vmem>> -> memref<10x768xf32, #tpu.memory_space<vmem>>
    tpu.enqueue_dma source(%dma_start3A_324 : memref<10x768xf32, #tpu.memory_space<vmem>>) target(%dma_start3A_320 : memref<10x768xf32, #tpu.memory_space<hbm>>) target_semaphore(%arg12 : memref<!tpu.dma_semaphore, #tpu.memory_space<semaphore_mem>>)
    %dma_start3A_325 = arith.constant 7 : i32
    %dma_start3A_326 = arith.constant 0 : i32
    %dma_start3A_327 = arith.constant 0 : i32
    %dma_start3A_328 = tpu.memref_slice %arg7[%dma_start3A_325, %dma_start3A_326, %dma_start3A_327] : memref<8x10x768xf32, #tpu.memory_space<vmem>> -> memref<1x10x768xf32, #tpu.memory_space<vmem>>
    %dma_start3A_329 = tpu.memref_squeeze %dma_start3A_328 : memref<1x10x768xf32, #tpu.memory_space<vmem>> -> memref<10x768xf32, #tpu.memory_space<vmem>>
    %dma_start3A_330 = arith.constant 0 : i32
    %dma_start3A_331 = arith.constant 0 : i32
    %dma_start3A_332 = tpu.memref_slice %arg5[%add3A_205, %dma_start3A_330, %dma_start3A_331] : memref<256x206x768xf32, #tpu.memory_space<hbm>> -> memref<1x10x768xf32, #tpu.memory_space<hbm>>
    %dma_start3A_333 = tpu.memref_squeeze %dma_start3A_332 : memref<1x10x768xf32, #tpu.memory_space<hbm>> -> memref<10x768xf32, #tpu.memory_space<hbm>>
    %dma_start3A_334 = arith.constant 0 : i32
    %dma_start3A_335 = arith.constant 0 : i32
    %dma_start3A_336 = tpu.memref_slice %arg5[%add3A_205, %dma_start3A_334, %dma_start3A_335] : memref<256x206x768xf32, #tpu.memory_space<hbm>> -> memref<1x10x768xf32, #tpu.memory_space<hbm>>
    %dma_start3A_337 = tpu.memref_squeeze %dma_start3A_336 : memref<1x10x768xf32, #tpu.memory_space<hbm>> -> memref<10x768xf32, #tpu.memory_space<hbm>>
    %dma_start3A_338 = arith.constant 0 : i32
    %dma_start3A_339 = arith.constant 0 : i32
    %dma_start3A_340 = tpu.memref_slice %arg7[%dma_start3A_325, %dma_start3A_338, %dma_start3A_339] : memref<8x10x768xf32, #tpu.memory_space<vmem>> -> memref<1x10x768xf32, #tpu.memory_space<vmem>>
    %dma_start3A_341 = tpu.memref_squeeze %dma_start3A_340 : memref<1x10x768xf32, #tpu.memory_space<vmem>> -> memref<10x768xf32, #tpu.memory_space<vmem>>
    tpu.enqueue_dma source(%dma_start3A_341 : memref<10x768xf32, #tpu.memory_space<vmem>>) target(%dma_start3A_337 : memref<10x768xf32, #tpu.memory_space<hbm>>) target_semaphore(%arg12 : memref<!tpu.dma_semaphore, #tpu.memory_space<semaphore_mem>>)
    %dma_wait3A_342 = arith.constant 0 : i32
    %dma_wait3A_343 = arith.constant 0 : i32
    %dma_wait3A_344 = arith.constant 0 : i32
    %dma_wait3A_345 = tpu.memref_slice %arg7[%dma_wait3A_342, %dma_wait3A_343, %dma_wait3A_344] : memref<8x10x768xf32, #tpu.memory_space<vmem>> -> memref<1x10x768xf32, #tpu.memory_space<vmem>>
    %dma_wait3A_346 = tpu.memref_squeeze %dma_wait3A_345 : memref<1x10x768xf32, #tpu.memory_space<vmem>> -> memref<10x768xf32, #tpu.memory_space<vmem>>
    %dma_wait3A_347 = arith.constant 0 : i32
    %dma_wait3A_348 = arith.constant 0 : i32
    %dma_wait3A_349 = tpu.memref_slice %arg5[%add3A_191, %dma_wait3A_347, %dma_wait3A_348] : memref<256x206x768xf32, #tpu.memory_space<hbm>> -> memref<1x10x768xf32, #tpu.memory_space<hbm>>
    %dma_wait3A_350 = tpu.memref_squeeze %dma_wait3A_349 : memref<1x10x768xf32, #tpu.memory_space<hbm>> -> memref<10x768xf32, #tpu.memory_space<hbm>>
    %dma_wait3A_351 = arith.constant 0 : i32
    %dma_wait3A_352 = arith.constant 0 : i32
    %dma_wait3A_353 = tpu.memref_slice %arg5[%add3A_191, %dma_wait3A_351, %dma_wait3A_352] : memref<256x206x768xf32, #tpu.memory_space<hbm>> -> memref<1x10x768xf32, #tpu.memory_space<hbm>>
    %dma_wait3A_354 = tpu.memref_squeeze %dma_wait3A_353 : memref<1x10x768xf32, #tpu.memory_space<hbm>> -> memref<10x768xf32, #tpu.memory_space<hbm>>
    %dma_wait3A_355 = arith.constant 0 : i32
    %dma_wait3A_356 = arith.constant 0 : i32
    %dma_wait3A_357 = tpu.memref_slice %arg7[%dma_wait3A_342, %dma_wait3A_355, %dma_wait3A_356] : memref<8x10x768xf32, #tpu.memory_space<vmem>> -> memref<1x10x768xf32, #tpu.memory_space<vmem>>
    %dma_wait3A_358 = tpu.memref_squeeze %dma_wait3A_357 : memref<1x10x768xf32, #tpu.memory_space<vmem>> -> memref<10x768xf32, #tpu.memory_space<vmem>>
    tpu.wait_dma2 semaphore(%arg12 : memref<!tpu.dma_semaphore, #tpu.memory_space<semaphore_mem>>) src(%dma_wait3A_358 : memref<10x768xf32, #tpu.memory_space<vmem>>) dst(%dma_wait3A_354 : memref<10x768xf32, #tpu.memory_space<hbm>>)
    %dma_wait3A_359 = arith.constant 1 : i32
    %dma_wait3A_360 = arith.constant 0 : i32
    %dma_wait3A_361 = arith.constant 0 : i32
    %dma_wait3A_362 = tpu.memref_slice %arg7[%dma_wait3A_359, %dma_wait3A_360, %dma_wait3A_361] : memref<8x10x768xf32, #tpu.memory_space<vmem>> -> memref<1x10x768xf32, #tpu.memory_space<vmem>>
    %dma_wait3A_363 = tpu.memref_squeeze %dma_wait3A_362 : memref<1x10x768xf32, #tpu.memory_space<vmem>> -> memref<10x768xf32, #tpu.memory_space<vmem>>
    %dma_wait3A_364 = arith.constant 0 : i32
    %dma_wait3A_365 = arith.constant 0 : i32
    %dma_wait3A_366 = tpu.memref_slice %arg5[%add3A_193, %dma_wait3A_364, %dma_wait3A_365] : memref<256x206x768xf32, #tpu.memory_space<hbm>> -> memref<1x10x768xf32, #tpu.memory_space<hbm>>
    %dma_wait3A_367 = tpu.memref_squeeze %dma_wait3A_366 : memref<1x10x768xf32, #tpu.memory_space<hbm>> -> memref<10x768xf32, #tpu.memory_space<hbm>>
    %dma_wait3A_368 = arith.constant 0 : i32
    %dma_wait3A_369 = arith.constant 0 : i32
    %dma_wait3A_370 = tpu.memref_slice %arg5[%add3A_193, %dma_wait3A_368, %dma_wait3A_369] : memref<256x206x768xf32, #tpu.memory_space<hbm>> -> memref<1x10x768xf32, #tpu.memory_space<hbm>>
    %dma_wait3A_371 = tpu.memref_squeeze %dma_wait3A_370 : memref<1x10x768xf32, #tpu.memory_space<hbm>> -> memref<10x768xf32, #tpu.memory_space<hbm>>
    %dma_wait3A_372 = arith.constant 0 : i32
    %dma_wait3A_373 = arith.constant 0 : i32
    %dma_wait3A_374 = tpu.memref_slice %arg7[%dma_wait3A_359, %dma_wait3A_372, %dma_wait3A_373] : memref<8x10x768xf32, #tpu.memory_space<vmem>> -> memref<1x10x768xf32, #tpu.memory_space<vmem>>
    %dma_wait3A_375 = tpu.memref_squeeze %dma_wait3A_374 : memref<1x10x768xf32, #tpu.memory_space<vmem>> -> memref<10x768xf32, #tpu.memory_space<vmem>>
    tpu.wait_dma2 semaphore(%arg12 : memref<!tpu.dma_semaphore, #tpu.memory_space<semaphore_mem>>) src(%dma_wait3A_375 : memref<10x768xf32, #tpu.memory_space<vmem>>) dst(%dma_wait3A_371 : memref<10x768xf32, #tpu.memory_space<hbm>>)
    %dma_wait3A_376 = arith.constant 2 : i32
    %dma_wait3A_377 = arith.constant 0 : i32
    %dma_wait3A_378 = arith.constant 0 : i32
    %dma_wait3A_379 = tpu.memref_slice %arg7[%dma_wait3A_376, %dma_wait3A_377, %dma_wait3A_378] : memref<8x10x768xf32, #tpu.memory_space<vmem>> -> memref<1x10x768xf32, #tpu.memory_space<vmem>>
    %dma_wait3A_380 = tpu.memref_squeeze %dma_wait3A_379 : memref<1x10x768xf32, #tpu.memory_space<vmem>> -> memref<10x768xf32, #tpu.memory_space<vmem>>
    %dma_wait3A_381 = arith.constant 0 : i32
    %dma_wait3A_382 = arith.constant 0 : i32
    %dma_wait3A_383 = tpu.memref_slice %arg5[%add3A_195, %dma_wait3A_381, %dma_wait3A_382] : memref<256x206x768xf32, #tpu.memory_space<hbm>> -> memref<1x10x768xf32, #tpu.memory_space<hbm>>
    %dma_wait3A_384 = tpu.memref_squeeze %dma_wait3A_383 : memref<1x10x768xf32, #tpu.memory_space<hbm>> -> memref<10x768xf32, #tpu.memory_space<hbm>>
    %dma_wait3A_385 = arith.constant 0 : i32
    %dma_wait3A_386 = arith.constant 0 : i32
    %dma_wait3A_387 = tpu.memref_slice %arg5[%add3A_195, %dma_wait3A_385, %dma_wait3A_386] : memref<256x206x768xf32, #tpu.memory_space<hbm>> -> memref<1x10x768xf32, #tpu.memory_space<hbm>>
    %dma_wait3A_388 = tpu.memref_squeeze %dma_wait3A_387 : memref<1x10x768xf32, #tpu.memory_space<hbm>> -> memref<10x768xf32, #tpu.memory_space<hbm>>
    %dma_wait3A_389 = arith.constant 0 : i32
    %dma_wait3A_390 = arith.constant 0 : i32
    %dma_wait3A_391 = tpu.memref_slice %arg7[%dma_wait3A_376, %dma_wait3A_389, %dma_wait3A_390] : memref<8x10x768xf32, #tpu.memory_space<vmem>> -> memref<1x10x768xf32, #tpu.memory_space<vmem>>
    %dma_wait3A_392 = tpu.memref_squeeze %dma_wait3A_391 : memref<1x10x768xf32, #tpu.memory_space<vmem>> -> memref<10x768xf32, #tpu.memory_space<vmem>>
    tpu.wait_dma2 semaphore(%arg12 : memref<!tpu.dma_semaphore, #tpu.memory_space<semaphore_mem>>) src(%dma_wait3A_392 : memref<10x768xf32, #tpu.memory_space<vmem>>) dst(%dma_wait3A_388 : memref<10x768xf32, #tpu.memory_space<hbm>>)
    %dma_wait3A_393 = arith.constant 3 : i32
    %dma_wait3A_394 = arith.constant 0 : i32
    %dma_wait3A_395 = arith.constant 0 : i32
    %dma_wait3A_396 = tpu.memref_slice %arg7[%dma_wait3A_393, %dma_wait3A_394, %dma_wait3A_395] : memref<8x10x768xf32, #tpu.memory_space<vmem>> -> memref<1x10x768xf32, #tpu.memory_space<vmem>>
    %dma_wait3A_397 = tpu.memref_squeeze %dma_wait3A_396 : memref<1x10x768xf32, #tpu.memory_space<vmem>> -> memref<10x768xf32, #tpu.memory_space<vmem>>
    %dma_wait3A_398 = arith.constant 0 : i32
    %dma_wait3A_399 = arith.constant 0 : i32
    %dma_wait3A_400 = tpu.memref_slice %arg5[%add3A_197, %dma_wait3A_398, %dma_wait3A_399] : memref<256x206x768xf32, #tpu.memory_space<hbm>> -> memref<1x10x768xf32, #tpu.memory_space<hbm>>
    %dma_wait3A_401 = tpu.memref_squeeze %dma_wait3A_400 : memref<1x10x768xf32, #tpu.memory_space<hbm>> -> memref<10x768xf32, #tpu.memory_space<hbm>>
    %dma_wait3A_402 = arith.constant 0 : i32
    %dma_wait3A_403 = arith.constant 0 : i32
    %dma_wait3A_404 = tpu.memref_slice %arg5[%add3A_197, %dma_wait3A_402, %dma_wait3A_403] : memref<256x206x768xf32, #tpu.memory_space<hbm>> -> memref<1x10x768xf32, #tpu.memory_space<hbm>>
    %dma_wait3A_405 = tpu.memref_squeeze %dma_wait3A_404 : memref<1x10x768xf32, #tpu.memory_space<hbm>> -> memref<10x768xf32, #tpu.memory_space<hbm>>
    %dma_wait3A_406 = arith.constant 0 : i32
    %dma_wait3A_407 = arith.constant 0 : i32
    %dma_wait3A_408 = tpu.memref_slice %arg7[%dma_wait3A_393, %dma_wait3A_406, %dma_wait3A_407] : memref<8x10x768xf32, #tpu.memory_space<vmem>> -> memref<1x10x768xf32, #tpu.memory_space<vmem>>
    %dma_wait3A_409 = tpu.memref_squeeze %dma_wait3A_408 : memref<1x10x768xf32, #tpu.memory_space<vmem>> -> memref<10x768xf32, #tpu.memory_space<vmem>>
    tpu.wait_dma2 semaphore(%arg12 : memref<!tpu.dma_semaphore, #tpu.memory_space<semaphore_mem>>) src(%dma_wait3A_409 : memref<10x768xf32, #tpu.memory_space<vmem>>) dst(%dma_wait3A_405 : memref<10x768xf32, #tpu.memory_space<hbm>>)
    %dma_wait3A_410 = arith.constant 4 : i32
    %dma_wait3A_411 = arith.constant 0 : i32
    %dma_wait3A_412 = arith.constant 0 : i32
    %dma_wait3A_413 = tpu.memref_slice %arg7[%dma_wait3A_410, %dma_wait3A_411, %dma_wait3A_412] : memref<8x10x768xf32, #tpu.memory_space<vmem>> -> memref<1x10x768xf32, #tpu.memory_space<vmem>>
    %dma_wait3A_414 = tpu.memref_squeeze %dma_wait3A_413 : memref<1x10x768xf32, #tpu.memory_space<vmem>> -> memref<10x768xf32, #tpu.memory_space<vmem>>
    %dma_wait3A_415 = arith.constant 0 : i32
    %dma_wait3A_416 = arith.constant 0 : i32
    %dma_wait3A_417 = tpu.memref_slice %arg5[%add3A_199, %dma_wait3A_415, %dma_wait3A_416] : memref<256x206x768xf32, #tpu.memory_space<hbm>> -> memref<1x10x768xf32, #tpu.memory_space<hbm>>
    %dma_wait3A_418 = tpu.memref_squeeze %dma_wait3A_417 : memref<1x10x768xf32, #tpu.memory_space<hbm>> -> memref<10x768xf32, #tpu.memory_space<hbm>>
    %dma_wait3A_419 = arith.constant 0 : i32
    %dma_wait3A_420 = arith.constant 0 : i32
    %dma_wait3A_421 = tpu.memref_slice %arg5[%add3A_199, %dma_wait3A_419, %dma_wait3A_420] : memref<256x206x768xf32, #tpu.memory_space<hbm>> -> memref<1x10x768xf32, #tpu.memory_space<hbm>>
    %dma_wait3A_422 = tpu.memref_squeeze %dma_wait3A_421 : memref<1x10x768xf32, #tpu.memory_space<hbm>> -> memref<10x768xf32, #tpu.memory_space<hbm>>
    %dma_wait3A_423 = arith.constant 0 : i32
    %dma_wait3A_424 = arith.constant 0 : i32
    %dma_wait3A_425 = tpu.memref_slice %arg7[%dma_wait3A_410, %dma_wait3A_423, %dma_wait3A_424] : memref<8x10x768xf32, #tpu.memory_space<vmem>> -> memref<1x10x768xf32, #tpu.memory_space<vmem>>
    %dma_wait3A_426 = tpu.memref_squeeze %dma_wait3A_425 : memref<1x10x768xf32, #tpu.memory_space<vmem>> -> memref<10x768xf32, #tpu.memory_space<vmem>>
    tpu.wait_dma2 semaphore(%arg12 : memref<!tpu.dma_semaphore, #tpu.memory_space<semaphore_mem>>) src(%dma_wait3A_426 : memref<10x768xf32, #tpu.memory_space<vmem>>) dst(%dma_wait3A_422 : memref<10x768xf32, #tpu.memory_space<hbm>>)
    %dma_wait3A_427 = arith.constant 5 : i32
    %dma_wait3A_428 = arith.constant 0 : i32
    %dma_wait3A_429 = arith.constant 0 : i32
    %dma_wait3A_430 = tpu.memref_slice %arg7[%dma_wait3A_427, %dma_wait3A_428, %dma_wait3A_429] : memref<8x10x768xf32, #tpu.memory_space<vmem>> -> memref<1x10x768xf32, #tpu.memory_space<vmem>>
    %dma_wait3A_431 = tpu.memref_squeeze %dma_wait3A_430 : memref<1x10x768xf32, #tpu.memory_space<vmem>> -> memref<10x768xf32, #tpu.memory_space<vmem>>
    %dma_wait3A_432 = arith.constant 0 : i32
    %dma_wait3A_433 = arith.constant 0 : i32
    %dma_wait3A_434 = tpu.memref_slice %arg5[%add3A_201, %dma_wait3A_432, %dma_wait3A_433] : memref<256x206x768xf32, #tpu.memory_space<hbm>> -> memref<1x10x768xf32, #tpu.memory_space<hbm>>
    %dma_wait3A_435 = tpu.memref_squeeze %dma_wait3A_434 : memref<1x10x768xf32, #tpu.memory_space<hbm>> -> memref<10x768xf32, #tpu.memory_space<hbm>>
    %dma_wait3A_436 = arith.constant 0 : i32
    %dma_wait3A_437 = arith.constant 0 : i32
    %dma_wait3A_438 = tpu.memref_slice %arg5[%add3A_201, %dma_wait3A_436, %dma_wait3A_437] : memref<256x206x768xf32, #tpu.memory_space<hbm>> -> memref<1x10x768xf32, #tpu.memory_space<hbm>>
    %dma_wait3A_439 = tpu.memref_squeeze %dma_wait3A_438 : memref<1x10x768xf32, #tpu.memory_space<hbm>> -> memref<10x768xf32, #tpu.memory_space<hbm>>
    %dma_wait3A_440 = arith.constant 0 : i32
    %dma_wait3A_441 = arith.constant 0 : i32
    %dma_wait3A_442 = tpu.memref_slice %arg7[%dma_wait3A_427, %dma_wait3A_440, %dma_wait3A_441] : memref<8x10x768xf32, #tpu.memory_space<vmem>> -> memref<1x10x768xf32, #tpu.memory_space<vmem>>
    %dma_wait3A_443 = tpu.memref_squeeze %dma_wait3A_442 : memref<1x10x768xf32, #tpu.memory_space<vmem>> -> memref<10x768xf32, #tpu.memory_space<vmem>>
    tpu.wait_dma2 semaphore(%arg12 : memref<!tpu.dma_semaphore, #tpu.memory_space<semaphore_mem>>) src(%dma_wait3A_443 : memref<10x768xf32, #tpu.memory_space<vmem>>) dst(%dma_wait3A_439 : memref<10x768xf32, #tpu.memory_space<hbm>>)
    %dma_wait3A_444 = arith.constant 6 : i32
    %dma_wait3A_445 = arith.constant 0 : i32
    %dma_wait3A_446 = arith.constant 0 : i32
    %dma_wait3A_447 = tpu.memref_slice %arg7[%dma_wait3A_444, %dma_wait3A_445, %dma_wait3A_446] : memref<8x10x768xf32, #tpu.memory_space<vmem>> -> memref<1x10x768xf32, #tpu.memory_space<vmem>>
    %dma_wait3A_448 = tpu.memref_squeeze %dma_wait3A_447 : memref<1x10x768xf32, #tpu.memory_space<vmem>> -> memref<10x768xf32, #tpu.memory_space<vmem>>
    %dma_wait3A_449 = arith.constant 0 : i32
    %dma_wait3A_450 = arith.constant 0 : i32
    %dma_wait3A_451 = tpu.memref_slice %arg5[%add3A_203, %dma_wait3A_449, %dma_wait3A_450] : memref<256x206x768xf32, #tpu.memory_space<hbm>> -> memref<1x10x768xf32, #tpu.memory_space<hbm>>
    %dma_wait3A_452 = tpu.memref_squeeze %dma_wait3A_451 : memref<1x10x768xf32, #tpu.memory_space<hbm>> -> memref<10x768xf32, #tpu.memory_space<hbm>>
    %dma_wait3A_453 = arith.constant 0 : i32
    %dma_wait3A_454 = arith.constant 0 : i32
    %dma_wait3A_455 = tpu.memref_slice %arg5[%add3A_203, %dma_wait3A_453, %dma_wait3A_454] : memref<256x206x768xf32, #tpu.memory_space<hbm>> -> memref<1x10x768xf32, #tpu.memory_space<hbm>>
    %dma_wait3A_456 = tpu.memref_squeeze %dma_wait3A_455 : memref<1x10x768xf32, #tpu.memory_space<hbm>> -> memref<10x768xf32, #tpu.memory_space<hbm>>
    %dma_wait3A_457 = arith.constant 0 : i32
    %dma_wait3A_458 = arith.constant 0 : i32
    %dma_wait3A_459 = tpu.memref_slice %arg7[%dma_wait3A_444, %dma_wait3A_457, %dma_wait3A_458] : memref<8x10x768xf32, #tpu.memory_space<vmem>> -> memref<1x10x768xf32, #tpu.memory_space<vmem>>
    %dma_wait3A_460 = tpu.memref_squeeze %dma_wait3A_459 : memref<1x10x768xf32, #tpu.memory_space<vmem>> -> memref<10x768xf32, #tpu.memory_space<vmem>>
    tpu.wait_dma2 semaphore(%arg12 : memref<!tpu.dma_semaphore, #tpu.memory_space<semaphore_mem>>) src(%dma_wait3A_460 : memref<10x768xf32, #tpu.memory_space<vmem>>) dst(%dma_wait3A_456 : memref<10x768xf32, #tpu.memory_space<hbm>>)
    %dma_wait3A_461 = arith.constant 7 : i32
    %dma_wait3A_462 = arith.constant 0 : i32
    %dma_wait3A_463 = arith.constant 0 : i32
    %dma_wait3A_464 = tpu.memref_slice %arg7[%dma_wait3A_461, %dma_wait3A_462, %dma_wait3A_463] : memref<8x10x768xf32, #tpu.memory_space<vmem>> -> memref<1x10x768xf32, #tpu.memory_space<vmem>>
    %dma_wait3A_465 = tpu.memref_squeeze %dma_wait3A_464 : memref<1x10x768xf32, #tpu.memory_space<vmem>> -> memref<10x768xf32, #tpu.memory_space<vmem>>
    %dma_wait3A_466 = arith.constant 0 : i32
    %dma_wait3A_467 = arith.constant 0 : i32
    %dma_wait3A_468 = tpu.memref_slice %arg5[%add3A_205, %dma_wait3A_466, %dma_wait3A_467] : memref<256x206x768xf32, #tpu.memory_space<hbm>> -> memref<1x10x768xf32, #tpu.memory_space<hbm>>
    %dma_wait3A_469 = tpu.memref_squeeze %dma_wait3A_468 : memref<1x10x768xf32, #tpu.memory_space<hbm>> -> memref<10x768xf32, #tpu.memory_space<hbm>>
    %dma_wait3A_470 = arith.constant 0 : i32
    %dma_wait3A_471 = arith.constant 0 : i32
    %dma_wait3A_472 = tpu.memref_slice %arg5[%add3A_205, %dma_wait3A_470, %dma_wait3A_471] : memref<256x206x768xf32, #tpu.memory_space<hbm>> -> memref<1x10x768xf32, #tpu.memory_space<hbm>>
    %dma_wait3A_473 = tpu.memref_squeeze %dma_wait3A_472 : memref<1x10x768xf32, #tpu.memory_space<hbm>> -> memref<10x768xf32, #tpu.memory_space<hbm>>
    %dma_wait3A_474 = arith.constant 0 : i32
    %dma_wait3A_475 = arith.constant 0 : i32
    %dma_wait3A_476 = tpu.memref_slice %arg7[%dma_wait3A_461, %dma_wait3A_474, %dma_wait3A_475] : memref<8x10x768xf32, #tpu.memory_space<vmem>> -> memref<1x10x768xf32, #tpu.memory_space<vmem>>
    %dma_wait3A_477 = tpu.memref_squeeze %dma_wait3A_476 : memref<1x10x768xf32, #tpu.memory_space<vmem>> -> memref<10x768xf32, #tpu.memory_space<vmem>>
    tpu.wait_dma2 semaphore(%arg12 : memref<!tpu.dma_semaphore, #tpu.memory_space<semaphore_mem>>) src(%dma_wait3A_477 : memref<10x768xf32, #tpu.memory_space<vmem>>) dst(%dma_wait3A_473 : memref<10x768xf32, #tpu.memory_space<hbm>>)
    return
  }
}

</mosaic_0001>

<sc_bundles>
// kernel: kernel.3.cloned.1.call-start
scs
__scs_entry_jumppad:
0x0: {  	(pc) =	sbr.rel $0x88, $3  }
0x1: {  	(tag) =	ssettag $0x0;
	lr =	simm.s32 $0x1  }
0x2: {  	[smem:$0x3F9E] =	sst lr;
	_ =	strace $0xD0000000  }
0x3: {  	_ = 	snop  }
0x4: {  	_ = 	snop  }
0x5: {  	_ = 	snop  }
0x6: {  	_ = 	snop  }
0x7: {  	_ = 	snop  }
__scs_overlays_trampoline_lowered:
0x8: {  	[smem:$0x3FAD] =	sst s0  }
0x9: {  	[smem:$0x3FAE] =	sst s1  }
0xa: {  	[smem:$0x3FAF] =	sst s2  }
0xb: {  	[smem:$0x3FB0] =	sst s3  }
0xc: {  	[smem:$0x3FB1] =	sst s4  }
0xd: {  	[smem:$0x3FB2] =	sst s5  }
0xe: {  	[smem:$0x3FB3] =	sst s6  }
0xf: {  	[smem:$0x3FB4] =	sst s7  }
0x10: {  	[smem:$0x3FB5] =	sst s8  }
0x11: {  	[smem:$0x3FB6] =	sst s9;
	s0 =	simm.s32 @!p0 $0x0  }
0x12: {  	s1 =	sld [smem:$0x3F9C];
	s0 =	simm.s32 @p0 $0x1  }
0x13: {  	[smem:$0x3FB7] =	sst s0;
	s0 =	simm.s32 @!p1 $0x0  }
0x14: {  	s2 =	sld [smem:$0x3F9B];
	s0 =	simm.s32 @p1 $0x1  }
0x15: {  	[smem:$0x3FB8] =	sst s0;
	s0 =	simm.s32 @!p2 $0x0  }
0x16: {  	s3 =	sld [smem:$0x3FDB];
	s0 =	simm.s32 @p2 $0x1  }
0x17: {  	s4 =	simm.s32 $0x1BF5;
	[smem:$0x3FBA] =	sst s0  }
0x18: {  	s0 =	sld [smem:$0x3F9D];
	_ =	swait.ge [sflag:s4], $0x0  }
0x19: {  	s7 =	sld [smem:$0x3F9E]  }
0x1a: {  	s8 =	sadd.s32 $0xFFFFE003, lr  }
0x1b: {  	s9 =	sadd.s32 $0xFFFFFEF7, lr;
	s5 =	simm.s32 $0xFFFFFFFF;
	p2 =	slt.u32 s8, $0xFFFFF086  }
0x1c: {  	p1 =	slt.u32 s9, $0xF7A;
	s5 =	simm.s32 @!p2 $0x0  }
0x1d: {  	s5 =	simm.s32 @p1 $0x1;
	p0 =	seq.s32 s7, s2  }
0x1e: {  	s7 =	smul.u32 @!p0 $0xF7A, s2;
	p2 =	seq.s32 @!p0 s5, $0x0  }
0x1f: {  	s9 =	smul.u32 $0xF7A, s1;
	s8 =	simm.s32 @!p0 $0x1BF5;
	p2 =	por !p2, p0  }
0x20: {  	[sflag:s8] =	ssyncset.s32 @!p0 $0xFFFFF086;
	s6 =	sadd.s32 @!p0 s3, s7;
	s7 =	simm.s32 @!p0 $0x108  }
0x21: {  	s3 =	sadd.s32 s3, s9;
	s6 =	sadd.s32 @!p0 $0x88, s6;
	s7 =	simm.s32 @p2 $0x1082  }
0x22: {  	[simem:s7], [sflag:s8] =	dma.local @!p0 [hbm:s6], $0xF7A  }
0x23: {  	s9 =	sor.u32 $0xD0000000, s2;
	s6 =	simm.s32 $0x108;
	_ =	swait.ge @!p0 [sflag:s8], $0x0  }
0x24: {  	s3 =	sadd.s32 $0x88, s3;
	s6 =	simm.s32 @!p1 $0x1082;
	[sflag:s4] =	ssyncset.s32 $0xFFFFF086  }
0x25: {  	[simem:s6], [sflag:s4] =	dma.local [hbm:s3], $0xF7A  }
0x26: {  	[smem:$0x3F9E] =	sst s1;
	(tag) =	ssettag s2;
	_ =	strace s9  }
0x27: {  	s1 =	sld [smem:$0x3FAE]  }
0x28: {  	s2 =	sld [smem:$0x3FAF]  }
0x29: {  	s4 =	sld [smem:$0x3FB1]  }
0x2a: {  	p0 =	seq.s32 s5, $0x0;
	s5 =	sld [smem:$0x3FB2]  }
0x2b: {  	s6 =	sld [smem:$0x3FB3]  }
0x2c: {  	s7 =	sld [smem:$0x3FB4]  }
0x2d: {  	s3 =	simm.s32 $0x108;
	s8 =	sld [smem:$0x3FB5]  }
0x2e: {  	s3 =	simm.s32 @!p0 $0x1082;
	s9 =	sld [smem:$0x3FB6]  }
0x2f: {  	lr =	sadd.s32 s0, s3;
	s0 =	sld [smem:$0x3FAD]  }
0x30: {  	s3 =	sld [smem:$0x3FB0]  }
0x31: {  	[smem:$0x3FB9] =	sst s10  }
0x32: {  	s10 =	sld [smem:$0x3FB7];
	_ =	sdelay $0x3  }
0x33: {  	p0 =	seq.s32 s10, $0x1;
	s10 =	sld [smem:$0x3FB9];
	_ =	sdelay $0x3  }
0x34: {  	[smem:$0x3FB9] =	sst s10  }
0x35: {  	s10 =	sld [smem:$0x3FB8];
	_ =	sdelay $0x3  }
0x36: {  	p1 =	seq.s32 s10, $0x1;
	s10 =	sld [smem:$0x3FB9];
	_ =	sdelay $0x3  }
0x37: {  	[smem:$0x3FB9] =	sst s10  }
0x38: {  	s10 =	sld [smem:$0x3FBA]  }
0x39: {  	_ = 	snop;
	(pc) =	sbr.ind lr, $3  }
0x3a: {  	_ = 	snop  }
0x3b: {  	_ = 	snop  }
0x3c: {  	p2 =	seq.s32 s10, $0x1;
	s10 =	sld [smem:$0x3FB9]  }
0x3d: {  	_ =	shalt  }
0x3e: {  	_ =	shalt  }
0x3f: {  	_ =	shalt  }
0x40: {  	_ =	shalt  }
0x41: {  	_ =	shalt  }
0x42: {  	_ =	shalt  }
0x43: {  	_ =	shalt  }
0x44: {  	_ =	shalt  }
0x45: {  	_ =	shalt  }
0x46: {  	_ =	shalt  }
0x47: {  	_ =	shalt  }
0x48: {  	_ =	shalt  }
0x49: {  	_ =	shalt  }
0x4a: {  	_ =	shalt  }
0x4b: {  	_ =	shalt  }
0x4c: {  	_ =	shalt  }
0x4d: {  	_ =	shalt  }
0x4e: {  	_ =	shalt  }
0x4f: {  	_ =	shalt  }
0x50: {  	_ =	shalt  }
0x51: {  	_ =	shalt  }
0x52: {  	_ =	shalt  }
0x53: {  	_ =	shalt  }
0x54: {  	_ =	shalt  }
0x55: {  	_ =	shalt  }
0x56: {  	_ =	shalt  }
0x57: {  	_ =	shalt  }
0x58: {  	_ =	shalt  }
0x59: {  	_ =	shalt  }
0x5a: {  	_ =	shalt  }
0x5b: {  	_ =	shalt  }
0x5c: {  	_ =	shalt  }
0x5d: {  	_ =	shalt  }
0x5e: {  	_ =	shalt  }
0x5f: {  	_ =	shalt  }
0x60: {  	_ =	shalt  }
0x61: {  	_ =	shalt  }
0x62: {  	_ =	shalt  }
0x63: {  	_ =	shalt  }
0x64: {  	_ =	shalt  }
0x65: {  	_ =	shalt  }
0x66: {  	_ =	shalt  }
0x67: {  	_ =	shalt  }
0x68: {  	_ =	shalt  }
0x69: {  	_ =	shalt  }
0x6a: {  	_ =	shalt  }
0x6b: {  	_ =	shalt  }
0x6c: {  	_ =	shalt  }
0x6d: {  	_ =	shalt  }
0x6e: {  	_ =	shalt  }
0x6f: {  	_ =	shalt  }
0x70: {  	_ =	shalt  }
0x71: {  	_ =	shalt  }
0x72: {  	_ =	shalt  }
0x73: {  	_ =	shalt  }
0x74: {  	_ =	shalt  }
0x75: {  	_ =	shalt  }
0x76: {  	_ =	shalt  }
0x77: {  	_ =	shalt  }
0x78: {  	_ =	shalt  }
0x79: {  	_ =	shalt  }
0x7a: {  	_ =	shalt  }
0x7b: {  	_ =	shalt  }
0x7c: {  	_ =	shalt  }
0x7d: {  	_ =	shalt  }
0x7e: {  	_ =	shalt  }
0x7f: {  	_ =	shalt  }
0x80: {  	_ =	shalt  }
0x81: {  	_ =	shalt  }
0x82: {  	_ =	shalt  }
0x83: {  	_ =	shalt  }
0x84: {  	_ =	shalt  }
0x85: {  	_ =	shalt  }
0x86: {  	_ =	shalt  }
0x87: {  	_ =	shalt  }
.Lfunc_end0:
.L_simem_size_0:
called_computation.1_lowered:
.L_overlay_start_0:
0x88: {  	s2 =	sld [smem:$0x3FD9]  }
0x89: {  	s3 =	sld [smem:$0x3FFE];
	_ =	sdelay $0x1  }
0x8a: {  	s1 =	srdreg.scid  }
0x8b: {  	s0 =	sand.u32 $0x1, s1  }
0x8c: {  	s17 =	sshll.u32 s0, $0xA;
	s2 =	sadd.s32 s3, s2  }
0x8d: {  	s2 =	sadd.s32 s2, s17  }
0x8e: {  	[smem:$0x3FC5] =	sst s2  }
0x8f: {  	_ = 	snop  }
0x90: {  	s2 =	sld [smem:$0x3FC7]  }
0x91: {  	s18 =	sld [smem:$0x3FD0];
	(tm) =	ssettm $0x1  }
0x92: {  	s4 =	sld [smem:$0x3FFB];
	_ =	sdelay $0x3  }
0x93: {  	_ =	strace s4  }
0x94: {  	s4 =	sld [smem:$0x3FFC];
	_ =	sdelay $0x3  }
0x95: {  	_ =	strace s4  }
0x96: {  	s4 =	sld [smem:$0x3FFD];
	_ =	sdelay $0x3  }
0x97: {  	_ =	strace s4  }
0x98: {  	_ =	strace $0x8FFFFFFF  }
0x99: {  	s19 =	sld [smem:$0x3FDB];
	_ =	sdelay $0x1  }
0x9a: {  	s5 =	simm.s32 $_scs_section_size  }
0x9b: {  	s6 =	simm.s32 $_size__tile_overlayer_lowered;
	s7 =	simm.s32 $_tile_overlayer_lowered  }
0x9c: {  	s22 =	simm.s32 $0x1BFF;
	s21 =	sshll.u32 s7, $0x1;
	s4 =	sadd.s32 s5, s19  }
0x9d: {  	s8 =	simm.s32 $0x0;
	s20 =	sshll.u32 s6, $0x1;
	s6 =	sadd.s32 s21, s4  }
0x9e: {  	[timem:s8], [sflag:s22] =	dma.local [hbm:s6], s20  }
0x9f: {  	_ =	swait.ge [sflag:s22], s20  }
0xa0: {  	s5 =	ssub.s32 $0x0, s20;
	[sflag:s22] =	ssyncset.done $0x0  }
0xa1: {  	[sflag:s22] =	ssyncadd.s32 s5;
	_ =	sdelay $0x1  }
0xa2: {  	s23 =	simm.s32 $0x1B8B  }
0xa3: {  	_ =	swait.ge [sflag:s23], $0x1  }
0xa4: {  	[sflag:s23] =	ssyncset.done $0x0  }
0xa5: {  	s25 =	simm.s32 $0x1B8E;
	s24 =	sld [smem:$0x3FFE];
	[sflag:s23] =	ssyncadd.s32 $0xFFFFFFFF  }
0xa6: {  	s26 =	simm.s32 $execute0_lowered;
	[smem:$0x3FD2] =	sst s25  }
0xa7: {  	s6 =	sshll.u32 s26, $0x1;
	_ =	strace $0x80000046;
	[dreg:$0x1] =	wrdreg $0xFFFFFFFF  }
0xa8: {  	s28 =	simm.s32 $_size_execute0_lowered;
	s4 =	sadd.s32 s4, s6;
	[dreg:$0x0] =	wrdreg $0x0  }
0xa9: {  	s6 =	sshll.u32 s28, $0x1;
	[dreg:$0x2] =	wrdreg s4  }
0xaa: {  	[dreg:$0x3] =	wrdreg s6  }
0xab: {  	[dreg:$0x4] =	wrdreg $0xC0  }
0xac: {  	_ =	task [dreg:s8], $0x5FFFF  }
0xad: {  	[dreg:$0x1] =	wrdreg $0xFFFFFFFF  }
0xae: {  	[dreg:$0x0] =	wrdreg $0x60  }
0xaf: {  	[dreg:$0x2] =	wrdreg s24  }
0xb0: {  	[dreg:$0x3] =	wrdreg s2  }
0xb1: {  	[dreg:$0x4] =	wrdreg s18  }
0xb2: {  	[dreg:$0x5] =	wrdreg $0x9  }
0xb3: {  	_ =	task.clear_ibuf [dreg:s8], $0x6FFFF;
	_ =	strace $0x90000046  }
0xb4: {  	s29 =	simm.s32 $0x9;
	_ =	strace $0x80000048  }
0xb5: {  	_ =	swait.ge [sflag:s29], $0x1  }
0xb6: {  	[sflag:s29] =	ssyncadd.s32 $0xFFFFFFFF  }
0xb7: {  	_ =	strace $0x90000048  }
0xb8: {  	_ =	sfence  }
0xb9: {  	s30 =	sld [smem:$0x0];
	_ =	sdelay $0x2  }
0xba: {  	s31 =	sshll.u32 s1, $0xD;
	s1 =	sshrl.u32 s1, $0x2  }
0xbb: {  	s3 =	sand.u32 $0x4000, s31;
	s1 =	sadd.s32 s1, s30  }
0xbc: {  	s0 =	sor.u32 s3, s0;
	s1 =	sshll.u32 s1, $0x11  }
0xbd: {  	s0 =	sor.u32 s1, s0  }
0xbe: {  	s0 =	sadd.s32 $0x8F2B, s0  }
0xbf: {  	[sflag:s0] =	ssyncadd.remote.s32 $0x1  }
0xc0: {  	_ =	sfence.sel $0xFFFF  }
0xc1: {  	[dreg:$0x0] =	wrdreg $0xFFFFFFFF;
	(pc) =	sbr.abs _section_cstart, $3  }
0xc2: {  	[dreg:$0x1] =	wrdreg $0xFFFFFFFF  }
0xc3: {  	_ =	task.clear_ibuf [dreg:s8], $0x2FFFF;
	_ =	strace $0x9FFFFFFF  }
0xc4: {  	(tm) =	ssettm $0x7FFFFFFF  }
0xc5: {  	_ =	shalt  }
tec
execute0_lowered:
.L_overlay_start_1:
0x0: {  	(tag) =	ssettag $0x1  }
0x1: {  	s0 =	rddreg [dreg:$0x0]  }
0x2: {  	s1 =	srdreg.scid;
	s6 =	rddreg [dreg:$0x1]  }
0x3: {  	s3 =	stileid.u32;
	s2 =	rddreg [dreg:$0x2];
	s1 =	sand.u32 $0x1, s1  }
0x4: {  	s4 =	sshll.u32 s3, $0x4;
	s3 =	simm.s32 $0x0;
	s5 =	sshll.u32 s1, $0x3  }
0x5: {  	[smem:$0x7FF] =	sst s3;
	s1 =	ssub.s32 $0x2, s1;
	s4 =	sor.u32 s5, s4  }
0x6: {  	_ =	strace $0x80000047;
	s5 =	sadd.s32 $0x2E00, s0;
	s7 =	smul.u32 $0x24C00, s4  }
0x7: {  	s0 =	sadd.s32 $0x800, s0;
	s18 =	sshrl.u32 s1, $0x1;
	s8 =	smul.u32 $0x26A00, s4  }
0x8: {  	[dreg:$0x4] =	wrdreg s0;
	s0 =	ssub.s32 s1, s18;
	s9 =	sshrl.u32 s4, $0x3  }
0x9: {  	s6 =	sadd.s32 s6, s9;
	s19 =	sshrl.u32 s7, $0x3;
	s8 =	sshrl.u32 s8, $0x3  }
0xa: {  	[dreg:$0x6] =	wrdreg s6;
	s1 =	sadd.s32 s5, s19;
	s8 =	sadd.s32 s2, s8  }
0xb: {  	s20 =	sadd.s32 $0x3C0, s8;
	[dreg:$0x5] =	wrdreg s1  }
0xc: {  	s1 =	sadd.s32 $0xA80, s1;
	[dreg:$0x7] =	wrdreg s20  }
0xd: {  	s21 =	sadd.s32 $0x25F80, s8;
	[dreg:$0x8] =	wrdreg s1  }
0xe: {  	s22 =	sadd.s32 $0x4D40, s8;
	[dreg:$0x9] =	wrdreg s21  }
0xf: {  	s28 =	simm.s32 $0x4;
	s23 =	sadd.s32 $0x9A80, s8;
	[dreg:$0xa] =	wrdreg s22  }
0x10: {  	s29 =	simm.s32 $0x5;
	s24 =	sadd.s32 $0xE7C0, s8;
	[dreg:$0xb] =	wrdreg s23  }
0x11: {  	s30 =	simm.s32 $0x1;
	s25 =	sadd.s32 $0x13500, s8;
	[dreg:$0xc] =	wrdreg s24  }
0x12: {  	s7 =	simm.s32 $0x8;
	s26 =	sadd.s32 $0x18240, s8;
	[dreg:$0xd] =	wrdreg s25  }
0x13: {  	s31 =	sadd.s32 $0x1CF80, s8;
	s19 =	sadd.s32 $0x21CC0, s8;
	[dreg:$0xe] =	wrdreg s26  }
0x14: {  	[dreg:$0xf] =	wrdreg s31;
	s20 =	smax.u32 s0, $0x1;
	s21 =	simm.s32 $0x7  }
0x15: {  	s23 =	simm.s32 $0xF008;
	s24 =	simm.s32 $0x2;
	s25 =	simm.s32 $0x14408  }
0x16: {  	s26 =	simm.s32 $0x3;
	s1 =	simm.s32 $0x6;
	s0 =	simm.s32 $0x0  }
.LBB2_1:
0x17: {  	s6 =	rddreg [dreg:$0x6]  }
0x18: {  	[tilespmem:s3], [sflag:$0x7] =	stream.linear.gather [hbm4b:s6+s3], $0x8, $0x38;
	[tilespmem:$0x19808] =	vst v63  }
0x19: {  	_ =	swait.ge [sflag:s21], $0x8  }
0x1a: {  	[sflag:s21] =	ssyncset.done $0x0  }
0x1b: {  	s16 =	rddreg [dreg:$0x4];
	[sflag:s21] =	ssyncadd.s32 $0xFFFFFFF8  }
0x1c: {  	[tilespmem:s7], [sflag:$0x1] =	stream.indirect.gather [hbm4b:s16+s7], $0x1E00, s3, s7, $0xb8;
	[tilespmem:$0x19808] =	vst v63  }
0x1d: {  	s7 =	sshllo.u32 s3, $0x1  }
0x1e: {  	s17 =	rddreg [dreg:$0x5];
	s9 =	sand.u32 $0xFF, s7  }
0x1f: {  	[tilespmem:s23], [sflag:$0x2] =	stream.linear.gather [hbm4b:s17+s3], $0x5400, $0x38;
	[tilespmem:$0x19808] =	vst v63  }
0x20: {  	s10 =	simm.s32 $0x2;
	s12 =	simm.s32 $0x3;
	s9 =	smul.u32 $0x25, s9  }
0x21: {  	s10 =	sand.u32 $0xFE, s10;
	s12 =	sand.u32 $0xFF, s12;
	_ =	swait.ge [sflag:s24], $0x5400  }
0x22: {  	s10 =	smul.u32 $0x25, s10;
	[sflag:s24] =	ssyncset.done $0x0;
	s9 =	sshrl.u32 s9, $0x8  }
0x23: {  	s18 =	rddreg [dreg:$0x7];
	[sflag:s24] =	ssyncadd.s32 $0xFFFFAC00;
	s11 =	ssub.s32 s7, s9  }
0x24: {  	[hbm4b:s18+s3] =	stream.linear.scatter [tilespmem:s23], [sflag:$0x4], $0x5400, $0x38;
	[tilespmem:$0x19808] =	vst v63  }
0x25: {  	s12 =	smul.u32 $0x25, s12;
	s10 =	sshrl.u32 s10, $0x8;
	s11 =	sand.u32 $0xFE, s11  }
0x26: {  	s13 =	ssub.s32 $0x2, s10;
	s22 =	rddreg [dreg:$0x8];
	s11 =	sshrl.u32 s11, $0x1  }
0x27: {  	[tilespmem:s25], [sflag:$0x3] =	stream.linear.gather [hbm4b:s22+s3], $0x5400, $0x38;
	[tilespmem:$0x19808] =	vst v63  }
0x28: {  	s12 =	sshrl.u32 s12, $0x8;
	s9 =	sadd.s32 s9, s11;
	s11 =	sand.u32 $0xFE, s13  }
0x29: {  	s15 =	ssub.s32 $0x3, s12;
	s9 =	sshrl.u32 s9, $0x2;
	s11 =	sshrl.u32 s11, $0x1  }
0x2a: {  	s13 =	smul.u32 $0x7, s9;
	s9 =	sadd.s32 s9, s4;
	s10 =	sadd.s32 s10, s11  }
0x2b: {  	s17 =	sand.u32 $0xFE, s15;
	s9 =	smul.u32 $0x26A00, s9;
	s10 =	sshrl.u32 s10, $0x2  }
0x2c: {  	s6 =	ssub.s32 s7, s13;
	s14 =	smul.u32 $0x7, s10;
	s10 =	sadd.s32 s10, s4  }
0x2d: {  	_ =	swait.ge [sflag:s26], $0x5400;
	s6 =	sand.u32 $0xFF, s6;
	s15 =	smul.u32 $0x26A00, s10  }
0x2e: {  	s31 =	simm.s32 $0x1;
	[sflag:s26] =	ssyncset.done $0x0;
	s6 =	smul.u32 $0x5400, s6  }
0x2f: {  	[sflag:s26] =	ssyncadd.s32 $0xFFFFAC00;
	s11 =	ssub.s32 $0x2, s14;
	s14 =	smul.u32 $0x24C00, s10  }
0x30: {  	s16 =	sand.u32 $0xFF, s11;
	s11 =	sshrl.u32 s17, $0x1;
	s6 =	sadd.s32 s9, s6  }
0x31: {  	s9 =	smul.u32 $0x5400, s16;
	s11 =	sadd.s32 s12, s11;
	s18 =	sshrl.u32 s6, $0x3  }
0x32: {  	s6 =	simm.s32 $0x2;
	s11 =	sshrl.u32 s11, $0x2;
	s13 =	sadd.s32 s2, s18  }
0x33: {  	s14 =	sadd.s32 s9, s14;
	s9 =	sadd.s32 s15, s9;
	s22 =	sadd.s32 s11, s4  }
0x34: {  	s11 =	smul.u32 $0x7, s11;
	s10 =	sshrl.u32 s14, $0x3;
	s13 =	sadd.s32 $0x3C0, s13  }
0x35: {  	[hbm4b:s13+s3] =	stream.linear.scatter [tilespmem:s25], [sflag:$0x5], $0x5400, $0x38;
	[tilespmem:$0x19808] =	vst v63  }
0x36: {  	s12 =	smul.u32 $0x24C00, s22;
	s13 =	sshrl.u32 s9, $0x3;
	s11 =	ssub.s32 $0x3, s11  }
0x37: {  	s9 =	sshllo.u32 s31, $0x1;
	_ =	swait.ge [sflag:s28], $0x5400;
	s11 =	sand.u32 $0xFF, s11  }
.LBB2_2:
0x38: {  	s14 =	sand.u32 $0xFF, s9  }
0x39: {  	s13 =	sadd.s32 s2, s13;
	s11 =	smul.u32 $0x5400, s11;
	s15 =	smov.u32 s6  }
0x3a: {  	p0 =	sne.s32 s6, $0x1A;
	s6 =	sadd.s32 $0x1, s6;
	s14 =	smul.u32 $0x25, s14  }
0x3b: {  	s11 =	sadd.s32 s11, s12  }
0x3c: {  	s16 =	sshll.u32 s31, $0x1;
	s31 =	smov.u32 s15;
	s14 =	sshrl.u32 s14, $0x8  }
0x3d: {  	s15 =	sadd.s32 $0x2, s16;
	s11 =	sshrl.u32 s11, $0x3;
	s22 =	ssub.s32 s9, s14  }
0x3e: {  	s17 =	sand.u32 $0xFE, s15;
	s12 =	sadd.s32 s5, s11;
	s22 =	sand.u32 $0xFE, s22  }
0x3f: {  	s17 =	smul.u32 $0x25, s17;
	s11 =	sadd.s32 $0x3, s16;
	s16 =	sshrl.u32 s22, $0x1  }
0x40: {  	s13 =	sadd.s32 $0x3C0, s13;
	s22 =	sand.u32 $0xFF, s11;
	s14 =	sadd.s32 s14, s16  }
0x41: {  	s16 =	sshrl.u32 s17, $0x8;
	s17 =	smul.u32 $0x25, s22;
	s14 =	sshrl.u32 s14, $0x2  }
0x42: {  	s10 =	sadd.s32 s5, s10;
	s22 =	ssub.s32 s15, s16;
	s18 =	sadd.s32 s14, s4  }
0x43: {  	s22 =	sand.u32 $0xFE, s22;
	s17 =	sshrl.u32 s17, $0x8;
	s14 =	smul.u32 $0x7, s14  }
0x44: {  	s22 =	sshrl.u32 s22, $0x1;
	s7 =	ssub.s32 s11, s17;
	s18 =	smul.u32 $0x26A00, s18  }
0x45: {  	s16 =	sadd.s32 s16, s22;
	s9 =	ssub.s32 s9, s14;
	[sflag:s28] =	ssyncset.done $0x0  }
0x46: {  	s7 =	sand.u32 $0xFE, s7;
	s14 =	sshrl.u32 s16, $0x2;
	s9 =	sand.u32 $0xFF, s9  }
0x47: {  	s7 =	sshrl.u32 s7, $0x1;
	s16 =	sadd.s32 s14, s4;
	s14 =	smul.u32 $0x7, s14  }
0x48: {  	s9 =	smul.u32 $0x5400, s9;
	s7 =	sadd.s32 s17, s7;
	[sflag:s28] =	ssyncadd.s32 $0xFFFFAC00  }
0x49: {  	[tilespmem:s23], [sflag:$0x2] =	stream.linear.gather [hbm4b:s10+s3], $0x5400, $0x38;
	[tilespmem:$0x19808] =	vst v63  }
0x4a: {  	s14 =	ssub.s32 s15, s14;
	s10 =	smul.u32 $0x24C00, s16;
	_ =	swait.ge [sflag:s24], $0x5400  }
0x4b: {  	s9 =	sadd.s32 s18, s9;
	s14 =	sand.u32 $0xFF, s14;
	[sflag:s24] =	ssyncset.done $0x0  }
0x4c: {  	s9 =	sshrl.u32 s9, $0x3;
	s14 =	smul.u32 $0x5400, s14;
	[sflag:s24] =	ssyncadd.s32 $0xFFFFAC00  }
0x4d: {  	[hbm4b:s13+s3] =	stream.linear.scatter [tilespmem:s23], [sflag:$0x4], $0x5400, $0x38;
	[tilespmem:$0x19808] =	vst v63  }
0x4e: {  	s9 =	sadd.s32 s2, s9;
	s10 =	sadd.s32 s14, s10;
	_ =	swait.ge [sflag:s29], $0x5400  }
0x4f: {  	s10 =	sshrl.u32 s10, $0x3;
	s13 =	smul.u32 $0x26A00, s16;
	[sflag:s29] =	ssyncset.done $0x0  }
0x50: {  	s7 =	sshrl.u32 s7, $0x2;
	[sflag:s29] =	ssyncadd.s32 $0xFFFFAC00  }
0x51: {  	[tilespmem:s25], [sflag:$0x3] =	stream.linear.gather [hbm4b:s12+s3], $0x5400, $0x38;
	[tilespmem:$0x19808] =	vst v63  }
0x52: {  	s12 =	sadd.s32 s13, s14;
	s14 =	sadd.s32 s7, s4;
	s7 =	smul.u32 $0x7, s7  }
.Ltmp0:
0x53: {  	_ =	swait.ge [sflag:s26], $0x5400;
	(pc) =	sbr.rel @p0 .LBB2_2-.Ltmp0, $4  }
0x54: {  	s13 =	sshrl.u32 s12, $0x3;
	s12 =	smul.u32 $0x24C00, s14;
	[sflag:s26] =	ssyncset.done $0x0  }
0x55: {  	s9 =	sadd.s32 $0x3C0, s9;
	s7 =	ssub.s32 s11, s7;
	[sflag:s26] =	ssyncadd.s32 $0xFFFFAC00  }
0x56: {  	[hbm4b:s9+s3] =	stream.linear.scatter [tilespmem:s25], [sflag:$0x5], $0x5400, $0x38;
	[tilespmem:$0x19808] =	vst v63  }
0x57: {  	s11 =	sand.u32 $0xFF, s7;
	s9 =	sshllo.u32 s31, $0x1;
	_ =	swait.ge [sflag:s28], $0x5400  }
0x58: {  	s6 =	sand.u32 $0xFF, s9  }
0x59: {  	[sflag:s28] =	ssyncset.done $0x0;
	s7 =	sadd.s32 s5, s10;
	s11 =	smul.u32 $0x5400, s11  }
0x5a: {  	s22 =	sadd.s32 s2, s13;
	s31 =	sshll.u32 s31, $0x1;
	s6 =	smul.u32 $0x25, s6  }
0x5b: {  	[sflag:s28] =	ssyncadd.s32 $0xFFFFAC00;
	s13 =	sadd.s32 $0x2, s31;
	s10 =	sadd.s32 $0x3, s31  }
0x5c: {  	[tilespmem:s23], [sflag:$0x2] =	stream.linear.gather [hbm4b:s7+s3], $0x5400, $0x38;
	[tilespmem:$0x19808] =	vst v63  }
0x5d: {  	s14 =	sand.u32 $0xFE, s13;
	s7 =	sadd.s32 $0x3C0, s22;
	_ =	swait.ge [sflag:s24], $0x5400  }
0x5e: {  	s11 =	sadd.s32 s11, s12;
	s6 =	sshrl.u32 s6, $0x8;
	[sflag:s24] =	ssyncset.done $0x0  }
0x5f: {  	s22 =	sand.u32 $0xFF, s10;
	s15 =	ssub.s32 s9, s6;
	[sflag:s24] =	ssyncadd.s32 $0xFFFFAC00  }
0x60: {  	[hbm4b:s7+s3] =	stream.linear.scatter [tilespmem:s23], [sflag:$0x4], $0x5400, $0x38;
	[tilespmem:$0x19808] =	vst v63  }
0x61: {  	s14 =	smul.u32 $0x25, s14;
	s11 =	sshrl.u32 s11, $0x3;
	s7 =	sand.u32 $0xFE, s15  }
0x62: {  	s12 =	smul.u32 $0x25, s22;
	s11 =	sadd.s32 s5, s11;
	s7 =	sshrl.u32 s7, $0x1  }
0x63: {  	s14 =	sshrl.u32 s14, $0x8;
	_ =	swait.ge [sflag:s29], $0x5400;
	s6 =	sadd.s32 s6, s7  }
0x64: {  	s16 =	ssub.s32 s13, s14;
	[sflag:s29] =	ssyncset.done $0x0;
	s6 =	sshrl.u32 s6, $0x2  }
0x65: {  	s7 =	sand.u32 $0xFE, s16;
	[sflag:s29] =	ssyncadd.s32 $0xFFFFAC00;
	s17 =	smul.u32 $0x7, s6  }
0x66: {  	[tilespmem:s25], [sflag:$0x3] =	stream.linear.gather [hbm4b:s11+s3], $0x5400, $0x38;
	[tilespmem:$0x19808] =	vst v63  }
0x67: {  	s7 =	sshrl.u32 s7, $0x1;
	s6 =	sadd.s32 s6, s4;
	s18 =	ssub.s32 s9, s17  }
0x68: {  	s7 =	sadd.s32 s14, s7;
	s6 =	smul.u32 $0x26A00, s6;
	s9 =	sand.u32 $0xFF, s18  }
0x69: {  	s14 =	sshrl.u32 s12, $0x8;
	s7 =	sshrl.u32 s7, $0x2;
	s9 =	smul.u32 $0x5400, s9  }
0x6a: {  	_ =	swait.ge [sflag:s26], $0x5400;
	s16 =	ssub.s32 s10, s14;
	s31 =	smul.u32 $0x7, s7  }
0x6b: {  	s7 =	sadd.s32 s7, s4;
	[sflag:s26] =	ssyncset.done $0x0;
	s6 =	sadd.s32 s6, s9  }
0x6c: {  	s15 =	smul.u32 $0x24C00, s7;
	s11 =	ssub.s32 s13, s31;
	s6 =	sshrl.u32 s6, $0x3  }
0x6d: {  	s7 =	smul.u32 $0x26A00, s7;
	s11 =	sand.u32 $0xFF, s11;
	s6 =	sadd.s32 s2, s6  }
0x6e: {  	[sflag:s26] =	ssyncadd.s32 $0xFFFFAC00;
	s11 =	smul.u32 $0x5400, s11;
	s6 =	sadd.s32 $0x3C0, s6  }
0x6f: {  	[hbm4b:s6+s3] =	stream.linear.scatter [tilespmem:s25], [sflag:$0x5], $0x5400, $0x38;
	[tilespmem:$0x19808] =	vst v63  }
0x70: {  	s12 =	sadd.s32 s11, s15;
	s6 =	sand.u32 $0xFE, s16  }
0x71: {  	s7 =	sadd.s32 s7, s11;
	s12 =	sshrl.u32 s12, $0x3;
	s6 =	sshrl.u32 s6, $0x1  }
0x72: {  	s7 =	sshrl.u32 s7, $0x3;
	_ =	swait.ge [sflag:s28], $0x5400;
	s6 =	sadd.s32 s14, s6  }
0x73: {  	s12 =	sadd.s32 s5, s12;
	[sflag:s28] =	ssyncset.done $0x0;
	s6 =	sshrl.u32 s6, $0x2  }
0x74: {  	s7 =	sadd.s32 s2, s7;
	[sflag:s28] =	ssyncadd.s32 $0xFFFFAC00;
	s17 =	smul.u32 $0x7, s6  }
0x75: {  	[tilespmem:s23], [sflag:$0x2] =	stream.linear.gather [hbm4b:s12+s3], $0x5400, $0x38;
	[tilespmem:$0x19808] =	vst v63  }
0x76: {  	s6 =	sadd.s32 s6, s4;
	_ =	swait.ge [sflag:s24], $0x5400;
	s9 =	ssub.s32 s10, s17  }
0x77: {  	s6 =	smul.u32 $0x24C00, s6;
	[sflag:s24] =	ssyncset.done $0x0;
	s9 =	sand.u32 $0xFF, s9  }
0x78: {  	s7 =	sadd.s32 $0x3C0, s7;
	[sflag:s24] =	ssyncadd.s32 $0xFFFFAC00;
	s9 =	smul.u32 $0x5400, s9  }
0x79: {  	[hbm4b:s7+s3] =	stream.linear.scatter [tilespmem:s23], [sflag:$0x4], $0x5400, $0x38;
	[tilespmem:$0x19808] =	vst v63  }
0x7a: {  	_ =	swait.ge [sflag:s29], $0x5400;
	s6 =	sadd.s32 s9, s6  }
0x7b: {  	[sflag:s29] =	ssyncset.done $0x0;
	s6 =	sshrl.u32 s6, $0x3  }
0x7c: {  	[sflag:s29] =	ssyncadd.s32 $0xFFFFAC00;
	s6 =	sadd.s32 s5, s6  }
0x7d: {  	[tilespmem:s25], [sflag:$0x3] =	stream.linear.gather [hbm4b:s6+s3], $0x5400, $0x38;
	[tilespmem:$0x19808] =	vst v63  }
0x7e: {  	_ =	swait.ge [sflag:s26], $0x5400  }
0x7f: {  	[sflag:s26] =	ssyncset.done $0x0  }
0x80: {  	s18 =	rddreg [dreg:$0x9];
	[sflag:s26] =	ssyncadd.s32 $0xFFFFAC00  }
0x81: {  	[hbm4b:s18+s3] =	stream.linear.scatter [tilespmem:s25], [sflag:$0x5], $0x5400, $0x38;
	[tilespmem:$0x19808] =	vst v63  }
0x82: {  	_ =	swait.ge [sflag:s28], $0x5400  }
0x83: {  	[sflag:s28] =	ssyncset.done $0x0  }
0x84: {  	[sflag:s28] =	ssyncadd.s32 $0xFFFFAC00  }
0x85: {  	_ =	swait.ge [sflag:s29], $0x5400  }
0x86: {  	[sflag:s29] =	ssyncset.done $0x0  }
0x87: {  	[sflag:s29] =	ssyncadd.s32 $0xFFFFAC00  }
0x88: {  	_ =	swait.ge [sflag:s30], $0xF000  }
0x89: {  	[sflag:s30] =	ssyncset.done $0x0  }
0x8a: {  	s7 =	simm.s32 $0x8;
	[sflag:s30] =	ssyncadd.s32 $0xFFFF1000  }
0x8b: {  	[hbm4b:s8+s3] =	stream.linear.scatter [tilespmem:s7], [sflag:$0x6], $0x1E00, $0x38;
	[tilespmem:$0x19808] =	vst v63  }
0x8c: {  	s31 =	simm.s32 $0x1E08;
	s22 =	rddreg [dreg:$0xa]  }
0x8d: {  	[hbm4b:s22+s3] =	stream.linear.scatter [tilespmem:s31], [sflag:$0x6], $0x1E00, $0x38;
	[tilespmem:$0x19808] =	vst v63  }
0x8e: {  	s11 =	simm.s32 $0x3C08;
	s10 =	rddreg [dreg:$0xb]  }
0x8f: {  	[hbm4b:s10+s3] =	stream.linear.scatter [tilespmem:s11], [sflag:$0x6], $0x1E00, $0x38;
	[tilespmem:$0x19808] =	vst v63  }
0x90: {  	s13 =	simm.s32 $0x5A08;
	s12 =	rddreg [dreg:$0xc]  }
0x91: {  	[hbm4b:s12+s3] =	stream.linear.scatter [tilespmem:s13], [sflag:$0x6], $0x1E00, $0x38;
	[tilespmem:$0x19808] =	vst v63  }
0x92: {  	s15 =	simm.s32 $0x7808;
	s14 =	rddreg [dreg:$0xd]  }
0x93: {  	[hbm4b:s14+s3] =	stream.linear.scatter [tilespmem:s15], [sflag:$0x6], $0x1E00, $0x38;
	[tilespmem:$0x19808] =	vst v63  }
0x94: {  	s17 =	simm.s32 $0x9608;
	s16 =	rddreg [dreg:$0xe]  }
0x95: {  	[hbm4b:s16+s3] =	stream.linear.scatter [tilespmem:s17], [sflag:$0x6], $0x1E00, $0x38;
	[tilespmem:$0x19808] =	vst v63  }
0x96: {  	s18 =	rddreg [dreg:$0xf];
	s22 =	simm.s32 $0xB408  }
0x97: {  	[hbm4b:s18+s3] =	stream.linear.scatter [tilespmem:s22], [sflag:$0x6], $0x1E00, $0x38;
	[tilespmem:$0x19808] =	vst v63  }
0x98: {  	s31 =	simm.s32 $0xD208  }
0x99: {  	[hbm4b:s19+s3] =	stream.linear.scatter [tilespmem:s31], [sflag:$0x6], $0x1E00, $0x38;
	[tilespmem:$0x19808] =	vst v63  }
0x9a: {  	_ =	swait.ge [sflag:s1], $0x1E00  }
0x9b: {  	[sflag:s1] =	ssyncset.done $0x0  }
0x9c: {  	[sflag:s1] =	ssyncadd.s32 $0xFFFFE200  }
0x9d: {  	_ =	swait.ge [sflag:s1], $0x1E00  }
0x9e: {  	[sflag:s1] =	ssyncset.done $0x0  }
0x9f: {  	[sflag:s1] =	ssyncadd.s32 $0xFFFFE200  }
0xa0: {  	_ =	swait.ge [sflag:s1], $0x1E00  }
0xa1: {  	[sflag:s1] =	ssyncset.done $0x0  }
0xa2: {  	[sflag:s1] =	ssyncadd.s32 $0xFFFFE200  }
0xa3: {  	_ =	swait.ge [sflag:s1], $0x1E00  }
0xa4: {  	[sflag:s1] =	ssyncset.done $0x0  }
0xa5: {  	[sflag:s1] =	ssyncadd.s32 $0xFFFFE200  }
0xa6: {  	_ =	swait.ge [sflag:s1], $0x1E00  }
0xa7: {  	[sflag:s1] =	ssyncset.done $0x0  }
0xa8: {  	[sflag:s1] =	ssyncadd.s32 $0xFFFFE200  }
0xa9: {  	_ =	swait.ge [sflag:s1], $0x1E00  }
0xaa: {  	[sflag:s1] =	ssyncset.done $0x0  }
0xab: {  	s0 =	sadd.s32 $0x1, s0;
	[sflag:s1] =	ssyncadd.s32 $0xFFFFE200  }
0xac: {  	p0 =	sne.s32 s0, s20;
	_ =	swait.ge [sflag:s1], $0x1E00  }
.Ltmp1:
0xad: {  	[sflag:s1] =	ssyncset.done $0x0;
	(pc) =	sbr.rel @p0 .LBB2_1-.Ltmp1, $4  }
0xae: {  	[sflag:s1] =	ssyncadd.s32 $0xFFFFE200  }
0xaf: {  	_ =	swait.ge [sflag:s1], $0x1E00  }
0xb0: {  	[sflag:s1] =	ssyncset.done $0x0  }
0xb1: {  	[sflag:s1] =	ssyncadd.s32 $0xFFFFE200  }
0xb2: {  	_ =	sfence.sel $0x180000  }
0xb3: {  	[bflag:$0x0] =	sbarrier.arrive $0xFFFF  }
0xb4: {  	_ =	strace $0x90000047  }
0xb5: {  	s0 =	stileid.u32;
	[bflag:$0x2] =	sbarrier.arrive $0xFFFF  }
0xb6: {  	p0 =	sne.s32 s0, $0x0;
	s0 =	rddreg [dreg:$0x3]  }
0xb7: {  	s0 =	sadd.s32 @!p0 $0x100000, s0  }
0xb8: {  	[sflag:s0] =	ssyncadd.tile.s32 @!p0 $0x1;
	_ =	shalt  }
.Lfunc_end2:
_tile_overlayer_lowered:
.L_overlay_start_2:
0xb9: {  	(tag) =	ssettag $0x2  }
0xba: {  	s0 =	rddreg [dreg:$0x0];
	s2 =	stileid.u32  }
0xbb: {  	s1 =	rddreg [dreg:$0x1];
	p0 =	sne.s32 s2, $0x0  }
0xbc: {  	s3 =	rddreg [dreg:$0x2];
	[bflag:$0x3] =	sbarrier.arrive $0xFFFF;
	s2 =	simm.s32 @!p0 $0x1C07  }
0xbd: {  	[timem:s3], [sflag:s2] =	dma.local @!p0 [hbm:s0], s1  }
0xbe: {  	s0 =	simm.s32 @!p0 $0x7  }
0xbf: {  	_ =	swait.ge @!p0 [sflag:s0], s1  }
0xc0: {  	s1 =	ssub.s32 @!p0 $0x0, s1;
	[sflag:s0] =	ssyncset.done @!p0 $0x0  }
0xc1: {  	[sflag:s0] =	ssyncadd.s32 @!p0 s1  }
0xc2: {  	[bflag:$0x3] =	sbarrier.arrive $0xFFFF  }
0xc3: {  	_ =	shalt  }

// kernel: sparse-core-data-format-call.cloned.1.call-start
scs
called_computation_lowered:
.L_overlay_start_0:
0x0: {  	s2 =	sld [smem:$0x3FD9]  }
0x1: {  	s3 =	sld [smem:$0x3FFE];
	_ =	sdelay $0x1  }
0x2: {  	s1 =	srdreg.scid  }
0x3: {  	s0 =	sand.u32 $0x1, s1  }
0x4: {  	s18 =	sshll.u32 s0, $0xA;
	s2 =	sadd.s32 s3, s2  }
0x5: {  	s2 =	sadd.s32 s2, s18  }
0x6: {  	[smem:$0x3FC5] =	sst s2  }
0x7: {  	_ = 	snop  }
0x8: {  	s2 =	sld [smem:$0x3FD0];
	(tm) =	ssettm $0x1  }
0x9: {  	s19 =	sld [smem:$0x3FFB];
	_ =	sdelay $0x3  }
0xa: {  	_ =	strace s19  }
0xb: {  	s3 =	sld [smem:$0x3FFC];
	_ =	sdelay $0x3  }
0xc: {  	_ =	strace s3  }
0xd: {  	s3 =	sld [smem:$0x3FFD];
	_ =	sdelay $0x3  }
0xe: {  	_ =	strace s3  }
0xf: {  	_ =	strace $0x8FFFFFFF  }
0x10: {  	s20 =	sld [smem:$0x3FDB];
	_ =	sdelay $0x1  }
0x11: {  	s4 =	simm.s32 $_scs_section_size  }
0x12: {  	s5 =	simm.s32 $_size__tile_overlayer_lowered;
	s6 =	simm.s32 $_tile_overlayer_lowered  }
0x13: {  	s23 =	simm.s32 $0x1BFF;
	s22 =	sshll.u32 s6, $0x1;
	s3 =	sadd.s32 s4, s20  }
0x14: {  	s7 =	simm.s32 $0x0;
	s21 =	sshll.u32 s5, $0x1;
	s5 =	sadd.s32 s22, s3  }
0x15: {  	[timem:s7], [sflag:s23] =	dma.local [hbm:s5], s21  }
0x16: {  	_ =	swait.ge [sflag:s23], s21  }
0x17: {  	s4 =	ssub.s32 $0x0, s21;
	[sflag:s23] =	ssyncset.done $0x0  }
0x18: {  	[sflag:s23] =	ssyncadd.s32 s4;
	_ =	sdelay $0x1  }
0x19: {  	s24 =	simm.s32 $0x1B8B  }
0x1a: {  	_ =	swait.ge [sflag:s24], $0x1  }
0x1b: {  	[sflag:s24] =	ssyncset.done $0x0  }
0x1c: {  	s26 =	simm.s32 $0x1B8E;
	s25 =	sld [smem:$0x3FFE];
	[sflag:s24] =	ssyncadd.s32 $0xFFFFFFFF  }
0x1d: {  	s27 =	simm.s32 $execute0_lowered;
	[smem:$0x3FD2] =	sst s26  }
0x1e: {  	s5 =	sshll.u32 s27, $0x1;
	_ =	strace $0x80000049;
	[dreg:$0x1] =	wrdreg $0xFFFFFFFF  }
0x1f: {  	s28 =	simm.s32 $_size_execute0_lowered;
	s3 =	sadd.s32 s3, s5;
	[dreg:$0x0] =	wrdreg $0x0  }
0x20: {  	s5 =	sshll.u32 s28, $0x1;
	[dreg:$0x2] =	wrdreg s3  }
0x21: {  	[dreg:$0x3] =	wrdreg s5  }
0x22: {  	[dreg:$0x4] =	wrdreg $0xC0  }
0x23: {  	_ =	task [dreg:s7], $0x5FFFF  }
0x24: {  	[dreg:$0x1] =	wrdreg $0xFFFFFFFF  }
0x25: {  	[dreg:$0x0] =	wrdreg $0x60  }
0x26: {  	[dreg:$0x2] =	wrdreg s25  }
0x27: {  	[dreg:$0x3] =	wrdreg s2  }
0x28: {  	[dreg:$0x4] =	wrdreg $0x9  }
0x29: {  	_ =	task.clear_ibuf [dreg:s7], $0x5FFFF;
	_ =	strace $0x90000049  }
0x2a: {  	s29 =	simm.s32 $0x9;
	_ =	strace $0x8000004B  }
0x2b: {  	_ =	swait.ge [sflag:s29], $0x1  }
0x2c: {  	[sflag:s29] =	ssyncadd.s32 $0xFFFFFFFF  }
0x2d: {  	_ =	strace $0x9000004B  }
0x2e: {  	_ =	sfence  }
0x2f: {  	s30 =	sld [smem:$0x0];
	_ =	sdelay $0x2  }
0x30: {  	s31 =	sshll.u32 s1, $0xD;
	s1 =	sshrl.u32 s1, $0x2  }
0x31: {  	s3 =	sand.u32 $0x4000, s31;
	s1 =	sadd.s32 s1, s30  }
0x32: {  	s0 =	sor.u32 s3, s0;
	s1 =	sshll.u32 s1, $0x11  }
0x33: {  	s0 =	sor.u32 s1, s0  }
0x34: {  	s0 =	sadd.s32 $0x8F2B, s0  }
0x35: {  	[sflag:s0] =	ssyncadd.remote.s32 $0x1  }
0x36: {  	_ =	sfence.sel $0xFFFF  }
0x37: {  	[dreg:$0x0] =	wrdreg $0xFFFFFFFF;
	(pc) =	sbr.abs _section_cstart, $3  }
0x38: {  	[dreg:$0x1] =	wrdreg $0xFFFFFFFF  }
0x39: {  	_ =	task.clear_ibuf [dreg:s7], $0x2FFFF;
	_ =	strace $0x9FFFFFFF  }
0x3a: {  	(tm) =	ssettm $0x7FFFFFFF  }
0x3b: {  	_ =	shalt  }
tec
execute0_lowered:
.L_overlay_start_1:
0x0: {  	(tag) =	ssettag $0x1  }
0x1: {  	s0 =	stileid.u32;
	s1 =	srdreg.scid  }
0x2: {  	s1 =	sshll.u32 s1, $0x4;
	s2 =	sshll.u32 s0, $0x7  }
0x3: {  	s7 =	rddreg [dreg:$0x0];
	s3 =	sand.u32 $0x10, s1;
	s1 =	sand.u32 $0x80, s2  }
0x4: {  	s8 =	simm.s32 $0x2;
	s30 =	sor.u32 s0, s3;
	s4 =	ssub.s32 $0x100, s1  }
0x5: {  	s16 =	simm.s32 $0x0;
	s3 =	sshrl.u32 s30, $0x1;
	s31 =	sshrl.u32 s4, $0x7  }
0x6: {  	s4 =	sshrl.u32 s4, $0x8;
	s2 =	sand.u32 $0x1, s31;
	s5 =	ssub.s32 $0xDD, s3  }
0x7: {  	s9 =	simm.s32 $0x1800;
	s2 =	sadd.s32 s4, s2;
	s5 =	sshrl.u32 s5, $0x4  }
0x8: {  	s10 =	simm.s32 $0x0;
	s15 =	simm.s32 $0x0;
	s6 =	smul.u32 s5, s2  }
.Ltmp0:
0x9: {  	s17 =	simm.s32 $0x0;
	s4 =	rddreg [dreg:$0x1];
	(pc) =	sbr.rel .LBB1_1-.Ltmp0, $4  }
0xa: {  	s11 =	simm.s32 $0x0;
	s14 =	simm.s32 $0x0;
	s2 =	rddreg [dreg:$0x2]  }
0xb: {  	_ =	strace $0x8000004A;
	s5 =	simm.s32 $0x1;
	s6 =	smul.u32 $0x6, s6  }
0xc: {  	s7 =	sadd.s32 $0x800, s7;
	s13 =	smov.u32 s1;
	[sflag:s5] =	ssyncpa.u1 $0x0  }
0xd: {  	s12 =	smov.u32 s3;
	[sflag:s8] =	ssyncpa.u1 $0x0;
	s8 =	sor.u32 $0x1, s6  }
.LBB1_4:
0xe: {  	_ =	sdelay $0x2  }
0xf: {  	s21 =	sshrl.u32 s17, $0x3  }
0x10: {  	[tilespmem:v0+s20+$0xFFFFFFD0 ss:$0x1] =	vst.idx.msk $0xffff, v7;
	s22 =	sshll.u32 s16, $0x3;
	s21 =	smul.u32 $0x1800, s21  }
0x11: {  	v56 =	vld.idx.msk [tilespmem:v1+s19+$0x0 ss:$0x1], $0xffff;
	[tilespmem:v0+s20+$0xFFFFFFE0 ss:$0x1] =	vst.idx.msk $0xffff, v5;
	s27 =	sshll.u32 s17, $0x7;
	s22 =	sand.u32 $0xFFFFFC00, s22  }
0x12: {  	v57 =	vld.idx.msk [tilespmem:v1+s19+$0xFFFFFF90 ss:$0x1], $0xffff;
	[tilespmem:v0+s20+$0xFFFFFFF0 ss:$0x1] =	vst.idx.msk $0xffff, v4;
	s17 =	sand.u32 $0x380, s27;
	s21 =	sadd.s32 s21, s22  }
0x13: {  	v58 =	vld.idx.msk [tilespmem:v1+s19+$0xFFFFFFA0 ss:$0x1], $0xffff;
	[tilespmem:v0+s20+$0x0 ss:$0x1] =	vst.idx.msk $0xffff, v2;
	s28 =	sand.u32 $0x7F, s16;
	s17 =	sor.u32 s17, s21  }
0x14: {  	v59 =	vld.idx.msk [tilespmem:v1+s19+$0xFFFFFFB0 ss:$0x1], $0xffff;
	[tilespmem:v0+s20+$0x10 ss:$0x1] =	vst.idx.msk $0xffff, v3;
	s16 =	sor.u32 s28, s17  }
0x15: {  	v60 =	vld.idx.msk [tilespmem:v1+s19+$0xFFFFFFC0 ss:$0x1], $0xffff;
	[tilespmem:v0+s20+$0x20 ss:$0x1] =	vst.idx.msk $0xffff, v6;
	s29 =	smulhi.u32 $0xAAAAAAAB, s16  }
0x16: {  	v61 =	vld.idx.msk [tilespmem:v1+s19+$0xFFFFFFD0 ss:$0x1], $0xffff;
	[tilespmem:v0+s19+$0x30 ss:$0x1] =	vst.idx.msk $0xffff, v56;
	s17 =	smulhi.u32 $0xAAAAAAAB, s17  }
0x17: {  	v62 =	vld.idx.msk [tilespmem:v1+s19+$0xFFFFFFE0 ss:$0x1], $0xffff;
	[tilespmem:v0+s19+$0xFFFFFFC0 ss:$0x1] =	vst.idx.msk $0xffff, v57;
	s20 =	sshrl.u32 s29, $0x9  }
0x18: {  	v63 =	vld.idx.msk [tilespmem:v1+s19+$0xFFFFFFF0 ss:$0x1], $0xffff;
	[tilespmem:v0+s19+$0xFFFFFFD0 ss:$0x1] =	vst.idx.msk $0xffff, v58;
	s17 =	sshrl.u32 s17, $0x9;
	s20 =	smul.u32 $0x300, s20  }
0x19: {  	s15 =	smul.u32 $0x6000, s15;
	[tilespmem:v0+s19+$0xFFFFFFE0 ss:$0x1] =	vst.idx.msk $0xffff, v59;
	s17 =	sand.u32 $0xFF, s17  }
0x1a: {  	[tilespmem:v0+s19+$0xFFFFFFF0 ss:$0x1] =	vst.idx.msk $0xffff, v60;
	s17 =	smul.u32 $0x60, s17;
	s16 =	ssub.s32 s16, s20  }
0x1b: {  	s15 =	sadd.s32 s4, s15;
	[tilespmem:v0+s19+$0x0 ss:$0x1] =	vst.idx.msk $0xffff, v61;
	s20 =	sand.u32 $0x7, s16  }
0x1c: {  	[tilespmem:v0+s19+$0x10 ss:$0x1] =	vst.idx.msk $0xffff, v62;
	s15 =	sadd.s32 s17, s15;
	s16 =	sshrl.u32 s16, $0x3;
	s30 =	sshll.u32 s20, $0x12  }
0x1d: {  	[tilespmem:v0+s19+$0x20 ss:$0x1] =	vst.idx.msk $0xffff, v63;
	s15 =	sadd.s32 s16, s15;
	s31 =	sor.u32 $0x400, s30  }
0x1e: {  	[hbm4b:s15+s31] =	stream.strided.scatter [tilespmem:s18], [sflag:$0x2], $0x4000, s9, s31, $0x38;
	[tilespmem:$0x10000] =	vst v63  }
.LBB1_5:
0x1f: {  	s18 =	sadd.s32 $0x80, s11  }
0x20: {  	s15 =	sadd.s32 $0x10, s12;
	s19 =	smov.u32 s12;
	p1 =	sgt.s32 s18, $0x2FF  }
0x21: {  	s19 =	smov.u32 @p1 s15  }
0x22: {  	s21 =	smov.u32 s13;
	s15 =	sadd.s32 $0x100, s13;
	p2 =	sgt.s32 s19, $0xCD  }
0x23: {  	s21 =	smov.u32 @p2 s15  }
0x24: {  	s18 =	simm.s32 @p1 $0x0;
	p1 =	sgt.s32 s21, $0xFF  }
0x25: {  	p0 =	slt.u32 s14, $0x2;
	s21 =	smov.u32 @p1 s1;
	p1 =	sne.s32 s14, s8  }
.Ltmp1:
0x26: {  	s20 =	simm.s32 @!p0 $0x2;
	(pc) =	sbr.rel @!p1 .LBB1_6-.Ltmp1, $4  }
0x27: {  	s16 =	smov.u32 s11;
	s17 =	smov.u32 s13;
	_ =	swait.ge @!p0 [sflag:s20], $0x4000  }
0x28: {  	s10 =	sadd.s32 $0x4000, s10;
	[sflag:s20] =	ssyncset.done @!p0 $0x0;
	s11 =	smov.u32 s18  }
0x29: {  	s19 =	smov.u32 @p2 s3;
	s15 =	smov.u32 s12;
	[sflag:s20] =	ssyncadd.s32 @!p0 $0xFFFFC000  }
0x2a: {  	s12 =	smov.u32 s19;
	s14 =	sadd.s32 $0x1, s14;
	s13 =	smov.u32 s21  }
.LBB1_1:
0x2b: {  	p0 =	sge.u32 s14, s6  }
0x2c: {  	s18 =	sshrl.u32 @!p0 s12, $0x3  }
0x2d: {  	s19 =	sshll.u32 @!p0 s11, $0x3;
	s18 =	smul.u32 @!p0 $0x1800, s18  }
0x2e: {  	s20 =	sshll.u32 @!p0 s12, $0x7;
	s19 =	sand.u32 @!p0 $0xFFFFFC00, s19  }
0x2f: {  	s18 =	sadd.s32 @!p0 s18, s19;
	s19 =	sand.u32 @!p0 $0x380, s20  }
0x30: {  	s18 =	sor.u32 @!p0 s19, s18  }
0x31: {  	s19 =	sand.u32 @!p0 $0x7F, s11;
	s20 =	smulhi.u32 @!p0 $0xAAAAAAAB, s18  }
0x32: {  	s18 =	sor.u32 @!p0 s19, s18  }
0x33: {  	s19 =	smulhi.u32 @!p0 $0xAAAAAAAB, s18;
	s20 =	sshrl.u32 @!p0 s20, $0x9  }
0x34: {  	s21 =	smulhi.u32 @!p0 $0x13B13B2, s20;
	_ =	sdelay $0x1  }
0x35: {  	s19 =	sshrl.u32 @!p0 s19, $0x9;
	s21 =	smul.u32 @!p0 $0xD0, s21  }
0x36: {  	s31 =	sadd.s32 $0xFFFFFFFF, s14;
	s19 =	smul.u32 @!p0 $0x300, s19  }
0x37: {  	s22 =	sxor.u32 @!p0 $0xFFFFFFFF, s14;
	s20 =	ssub.s32 @!p0 s20, s21;
	s21 =	smul.u32 @!p0 $0x4E00, s13  }
0x38: {  	s22 =	sshll.u32 @!p0 s22, $0xE;
	s18 =	ssub.s32 @!p0 s18, s19;
	s19 =	smul.u32 @!p0 $0x60, s20  }
0x39: {  	s20 =	sand.u32 @!p0 $0x4000, s22;
	s22 =	sand.u32 @!p0 $0x7, s18;
	s21 =	sadd.s32 @!p0 s7, s21  }
0x3a: {  	s18 =	sshrl.u32 @!p0 s18, $0x3;
	s19 =	sadd.s32 @!p0 s19, s21;
	s21 =	sshll.u32 @!p0 s22, $0x12  }
0x3b: {  	s18 =	sadd.s32 @!p0 s18, s19;
	s19 =	sor.u32 @!p0 $0x80, s21;
	s21 =	simm.s32 @!p0 $0x27000  }
0x3c: {  	[tilespmem:s20], [sflag:$0x1] =	stream.strided.gather @!p0 [hbm4b:s18+s19], $0x4000, s21, s19, $0x38;
	[tilespmem:$0x10000] =	vst v63  }
0x3d: {  	p0 =	sge.u32 s31, s6  }
.Ltmp2:
0x3e: {  	_ = 	snop;
	(pc) =	sbr.rel @p0 .LBB1_5-.Ltmp2, $1  }
0x3f: {  	_ =	sdelay $0x3  }
0x40: {  	s18 =	sand.u32 $0x4000, s10  }
0x41: {  	s19 =	sor.u32 $0x70, s18  }
0x42: {  	v1 =	vmov s19;
	_ =	sdelay $0x1  }
0x43: {  	_ =	swait.ge [sflag:s5], $0x4000  }
0x44: {  	[sflag:s5] =	ssyncset.done $0x0  }
0x45: {  	s20 =	simm.s32 $0x0;
	[sflag:s5] =	ssyncadd.s32 $0xFFFFC000  }
0x46: {  	s18 =	sor.u32 $0x8040, s18;
	v6 =	vld.idx.msk [tilespmem:v1+s20+$0x0 ss:$0x1], $0xffff  }
0x47: {  	v0 =	vmov s18;
	v8 =	vld.idx.msk [tilespmem:v1+s20+$0xFFFFFF90 ss:$0x1], $0xffff  }
0x48: {  	v7 =	vld.idx.msk [tilespmem:v1+s20+$0xFFFFFFA0 ss:$0x1], $0xffff  }
0x49: {  	v5 =	vld.idx.msk [tilespmem:v1+s20+$0xFFFFFFB0 ss:$0x1], $0xffff  }
0x4a: {  	v4 =	vld.idx.msk [tilespmem:v1+s20+$0xFFFFFFC0 ss:$0x1], $0xffff  }
0x4b: {  	s31 =	sshll.u32 s14, $0xE;
	v2 =	vld.idx.msk [tilespmem:v1+s20+$0xFFFFFFD0 ss:$0x1], $0xffff  }
0x4c: {  	s18 =	sand.u32 $0x4000, s31;
	v3 =	vld.idx.msk [tilespmem:v1+s20+$0xFFFFFFE0 ss:$0x1], $0xffff;
	[tilespmem:v0+s20+$0x30 ss:$0x1] =	vst.idx.msk $0xffff, v6  }
0x4d: {  	s21 =	simm.s32 $0x400;
	s19 =	simm.s32 $0x80;
	s18 =	sor.u32 $0x8000, s18;
	[tilespmem:v0+s20+$0xFFFFFFC0 ss:$0x1] =	vst.idx.msk $0xffff, v8;
	v6 =	vld.idx.msk [tilespmem:v1+s20+$0xFFFFFFF0 ss:$0x1], $0xffff  }
.LBB1_3:
0x4e: {  	p0 =	sne.s32 s21, $0xFE00;
	v8 =	vld.idx.msk [tilespmem:v1+s19+$0x0 ss:$0x1], $0xffff;
	[tilespmem:v0+s20+$0xFFFFFFD0 ss:$0x1] =	vst.idx.msk $0xffff, v7  }
0x4f: {  	v9 =	vld.idx.msk [tilespmem:v1+s19+$0xFFFFFF90 ss:$0x1], $0xffff;
	[tilespmem:v0+s20+$0xFFFFFFE0 ss:$0x1] =	vst.idx.msk $0xffff, v5  }
0x50: {  	v7 =	vld.idx.msk [tilespmem:v1+s19+$0xFFFFFFA0 ss:$0x1], $0xffff;
	[tilespmem:v0+s20+$0xFFFFFFF0 ss:$0x1] =	vst.idx.msk $0xffff, v4  }
.Ltmp3:
0x51: {  	v5 =	vld.idx.msk [tilespmem:v1+s19+$0xFFFFFFB0 ss:$0x1], $0xffff;
	[tilespmem:v0+s20+$0x0 ss:$0x1] =	vst.idx.msk $0xffff, v2;
	(pc) =	sbr.rel @p0 .LBB1_3-.Ltmp3, $4  }
0x52: {  	v4 =	vld.idx.msk [tilespmem:v1+s19+$0xFFFFFFC0 ss:$0x1], $0xffff;
	[tilespmem:v0+s20+$0x10 ss:$0x1] =	vst.idx.msk $0xffff, v3  }
0x53: {  	v2 =	vld.idx.msk [tilespmem:v1+s19+$0xFFFFFFD0 ss:$0x1], $0xffff;
	[tilespmem:v0+s20+$0x20 ss:$0x1] =	vst.idx.msk $0xffff, v6;
	s20 =	smov.u32 s19  }
0x54: {  	v3 =	vld.idx.msk [tilespmem:v1+s20+$0xFFFFFFE0 ss:$0x1], $0xffff;
	[tilespmem:v0+s20+$0x30 ss:$0x1] =	vst.idx.msk $0xffff, v8  }
0x55: {  	s19 =	sshra.s32 s21, $0x2;
	s21 =	sadd.s32 $0x200, s21;
	[tilespmem:v0+s20+$0xFFFFFFC0 ss:$0x1] =	vst.idx.msk $0xffff, v9;
	v6 =	vld.idx.msk [tilespmem:v1+s20+$0xFFFFFFF0 ss:$0x1], $0xffff  }
.Ltmp4:
0x56: {  	_ = 	snop;
	(pc) =	sbr.rel .LBB1_4-.Ltmp4, $1  }
0x57: {  	_ =	sdelay $0x3  }
.LBB1_6:
0x58: {  	_ =	sfence.sel $0x180000  }
0x59: {  	s1 =	simm.s32 $0x1;
	[bflag:$0x0] =	sbarrier.arrive $0xFFFF  }
0x5a: {  	s31 =	simm.s32 $0x2;
	[sflag:s1] =	ssyncpa.u1 $0x1  }
0x5b: {  	[sflag:s31] =	ssyncpa.u1 $0x1  }
0x5c: {  	p0 =	sne.s32 s0, $0x0;
	_ =	strace $0x9000004A  }
0x5d: {  	s0 =	sadd.s32 @!p0 $0x100000, s2;
	[bflag:$0x2] =	sbarrier.arrive $0xFFFF  }
0x5e: {  	[sflag:s0] =	ssyncadd.tile.s32 @!p0 $0x1;
	_ =	shalt  }
.Lfunc_end1:
_tile_overlayer_lowered:
.L_overlay_start_2:
0x5f: {  	(tag) =	ssettag $0x2  }
0x60: {  	s0 =	rddreg [dreg:$0x0];
	s2 =	stileid.u32  }
0x61: {  	s1 =	rddreg [dreg:$0x1];
	p0 =	sne.s32 s2, $0x0  }
0x62: {  	s3 =	rddreg [dreg:$0x2];
	[bflag:$0x3] =	sbarrier.arrive $0xFFFF;
	s2 =	simm.s32 @!p0 $0x1C01  }
0x63: {  	[timem:s3], [sflag:s2] =	dma.local @!p0 [hbm:s0], s1  }
0x64: {  	s0 =	simm.s32 @!p0 $0x1  }
0x65: {  	_ =	swait.ge @!p0 [sflag:s0], s1  }
0x66: {  	s1 =	ssub.s32 @!p0 $0x0, s1;
	[sflag:s0] =	ssyncset.done @!p0 $0x0  }
0x67: {  	[sflag:s0] =	ssyncadd.s32 @!p0 s1  }
0x68: {  	[bflag:$0x3] =	sbarrier.arrive $0xFFFF  }
0x69: {  	_ =	shalt  }

</sc_bundles>
